<compile_context>
chip_gen: v7x
topology: tpu7x:2x2x1
jax: 0.10.2.dev20260603
libtpu: 0.0.44.dev20260713+nightly
codegen_flags: <defaults>
</compile_context>

<pallas_src>
import functools

import jax
import jax.numpy as jnp
from jax import lax
from jax.experimental import pallas as pl
from jax.experimental.pallas import tpu as pltpu
from jax.experimental.pallas import tpu_sc as plsc

D_MODEL = 64
NUM_CORES = 2
NUM_SUBCORES = 16
NUM_WORKERS = NUM_CORES * NUM_SUBCORES

CHUNK = 128
NBUF = 8
INFLIGHT = 6


def _make_gather(total_rows: int):
    b_per_w = total_rows // NUM_WORKERS
    n_chunks = b_per_w // CHUNK
    mesh = plsc.VectorSubcoreMesh(
        core_axis_name="c", subcore_axis_name="s",
        num_cores=NUM_CORES, num_subcores=NUM_SUBCORES,
    )

    @functools.partial(
        pl.kernel,
        mesh=mesh,
        out_type=jax.ShapeDtypeStruct((total_rows, D_MODEL), jnp.float32),
        scratch_types=[
            pltpu.VMEM((b_per_w,), jnp.int32),
            pltpu.VMEM((NBUF, CHUNK, D_MODEL), jnp.float32),
            pltpu.SemaphoreType.DMA((NBUF,)),
            pltpu.SemaphoreType.DMA((NBUF,)),
        ],
        compiler_params=pltpu.CompilerParams(use_tc_tiling_on_sc=False),
    )
    def gather(idx_hbm, table_hbm, out_hbm, idx_v, rows_v, g_sem, st_sem):
        wid = lax.axis_index("s") * NUM_CORES + lax.axis_index("c")
        base = wid * b_per_w

        pltpu.sync_copy(idx_hbm.at[pl.ds(base, b_per_w)], idx_v)

        def start_gather(chunk, buf):
            pltpu.async_copy(
                table_hbm.at[idx_v.at[pl.ds(chunk * CHUNK, CHUNK)]],
                rows_v.at[buf], g_sem.at[buf])

        def start_store(chunk, buf):
            pltpu.async_copy(
                rows_v.at[buf], out_hbm.at[pl.ds(base + chunk * CHUNK, CHUNK)],
                st_sem.at[buf])

        def wait(sem, buf):
            pltpu.make_async_copy(
                out_hbm.at[pl.ds(base, CHUNK)], rows_v.at[buf], sem.at[buf]
            ).wait()

        for b in range(INFLIGHT):
            start_gather(b, b)

        @pl.loop(0, n_chunks, step=NBUF)
        def _(o):
            for b in range(NBUF):
                i = o + b
                wait(g_sem, b)
                start_store(i, b)
                j = i + INFLIGHT
                bj = (b + INFLIGHT) % NBUF

                @pl.when(j < n_chunks)
                def _():
                    @pl.when(j >= NBUF)
                    def _():
                        wait(st_sem, bj)
                    start_gather(j, bj)

        for b in range(NBUF):
            wait(st_sem, (n_chunks - NBUF + b) % NBUF)

    return gather


def kernel(x, weight):
    idx = x.reshape(-1).astype(jnp.int32)
    out = _make_gather(idx.shape[0])(idx, weight)
    return out.reshape(x.shape + (D_MODEL,))

# --- scband reference (transcript-rebuilt; emitter-appended) ---
"""Pipeline reference for scband-embedding-34746285425435 (READ-ONLY COPY).

The authoritative reference and input builder live on the scoring server;
editing this copy changes nothing except your own understanding.
"""

import jax, jax.numpy as jnp
import numpy as np
import math

VOCAB_SIZE = 1000000
D_MODEL = 64

def setup_inputs(seed: int = 0) -> dict:
    key = jax.random.key(seed)
    k1, k2 = jax.random.split(key)
    x = jax.random.randint(k1, (16384, 50), 0, VOCAB_SIZE, dtype=jnp.int64 if jax.config.jax_enable_x64 else jnp.int32)
    weight = jax.random.normal(k2, (VOCAB_SIZE, D_MODEL), dtype=jnp.float32) / math.sqrt(D_MODEL)
    return {"x": x, "weight": weight}

def reference(x, weight):
    # Embedding lookup: weight[x] -> gather rows of embedding table
    return jnp.take(weight, x, axis=0)

if __name__ == "__main__":
    import jax
    _d = setup_inputs()
    print(jax.jit(kernel)(*tuple(_d.values())))

</pallas_src>

<mosaic_0001>
#map = affine_map<(d0, d1) -> (0)>
#map1 = affine_map<(d0, d1) -> (0, 0)>
module attributes {stable_mosaic.version = 14 : i64} {
  func.func @gather(%arg0: i32, %arg1: i32, %arg2: memref<819200xi32, #tpu.memory_space<hbm>>, %arg3: memref<1000000x64xf32, #tpu.memory_space<hbm>>, %arg4: memref<819200x64xf32, #tpu.memory_space<hbm>>, %arg5: memref<25600xi32, #tpu.memory_space<vmem>>, %arg6: memref<8x128x64xf32, #tpu.memory_space<vmem>>, %arg7: memref<8x!tpu.dma_semaphore, #tpu.memory_space<semaphore_mem>>, %arg8: memref<8x!tpu.dma_semaphore, #tpu.memory_space<semaphore_mem>>) attributes {dimension_semantics = [#tpu.dimension_semantics<core_parallel>, #tpu.dimension_semantics<subcore_parallel>], iteration_bounds = array<i64: 2, 16>, scalar_prefetch = 0 : i64, scratch_operands = 4 : i64, tpu.core_type = #tpu.core_type<sc_vector_subcore>, window_params = [{transform_indices = #map}, {transform_indices = #map1}, {transform_indices = #map1}]} {
    %mul3A = arith.constant 2 : i32
    %mul3A_0 = arith.muli %arg1, %mul3A : i32
    %add3A = arith.addi %mul3A_0, %arg0 : i32
    %mul3A_1 = arith.constant 25600 : i32
    %mul3A_2 = arith.muli %add3A, %mul3A_1 : i32
    "tpu.region"() ({
      %run_scoped3A = tpu.sem_alloc : memref<!tpu.dma_semaphore, #tpu.memory_space<semaphore_mem>>
      %dma_start3A_211 = tpu.memref_slice %arg2[%mul3A_2] : memref<819200xi32, #tpu.memory_space<hbm>> -> memref<25600xi32, #tpu.memory_space<hbm>>
      %dma_start3A_212 = tpu.memref_slice %arg2[%mul3A_2] : memref<819200xi32, #tpu.memory_space<hbm>> -> memref<25600xi32, #tpu.memory_space<hbm>>
      tpu.enqueue_dma source(%dma_start3A_212 : memref<25600xi32, #tpu.memory_space<hbm>>) target(%arg5 : memref<25600xi32, #tpu.memory_space<vmem>>) target_semaphore(%run_scoped3A : memref<!tpu.dma_semaphore, #tpu.memory_space<semaphore_mem>>)
      %dma_wait3A_213 = tpu.memref_slice %arg2[%mul3A_2] : memref<819200xi32, #tpu.memory_space<hbm>> -> memref<25600xi32, #tpu.memory_space<hbm>>
      %dma_wait3A_214 = tpu.memref_slice %arg2[%mul3A_2] : memref<819200xi32, #tpu.memory_space<hbm>> -> memref<25600xi32, #tpu.memory_space<hbm>>
      tpu.wait_dma2 semaphore(%run_scoped3A : memref<!tpu.dma_semaphore, #tpu.memory_space<semaphore_mem>>) src(%dma_wait3A_214 : memref<25600xi32, #tpu.memory_space<hbm>>) dst(%arg5 : memref<25600xi32, #tpu.memory_space<vmem>>)
      tpu.yield
    }) : () -> ()
    %dma_start3A = arith.constant 0 : i32
    %dma_start3A_3 = arith.constant 0 : i32
    %dma_start3A_4 = arith.constant 0 : i32
    %dma_start3A_5 = arith.constant 0 : i32
    %dma_start3A_6 = tpu.memref_slice %arg6[%dma_start3A, %dma_start3A_4, %dma_start3A_5] : memref<8x128x64xf32, #tpu.memory_space<vmem>> -> memref<1x128x64xf32, #tpu.memory_space<vmem>>
    %dma_start3A_7 = tpu.memref_squeeze %dma_start3A_6 : memref<1x128x64xf32, #tpu.memory_space<vmem>> -> memref<128x64xf32, #tpu.memory_space<vmem>>
    %dma_start3A_8 = arith.constant 0 : i32
    %dma_start3A_9 = tpu.memref_slice %arg5[%dma_start3A_8] : memref<25600xi32, #tpu.memory_space<vmem>> -> memref<128xi32, #tpu.memory_space<vmem>>
    %dma_start3A_10 = arith.constant 0 : i32
    %dma_start3A_11 = arith.constant 0 : i32
    %dma_start3A_12 = tpu.memref_slice %arg3[%dma_start3A_10, %dma_start3A_11] : memref<1000000x64xf32, #tpu.memory_space<hbm>> -> memref<1000000x64xf32, #tpu.memory_space<hbm>>
    %dma_start3A_13 = tpu.memref_slice %arg7[%dma_start3A_3] : memref<8x!tpu.dma_semaphore, #tpu.memory_space<semaphore_mem>> -> memref<1x!tpu.dma_semaphore, #tpu.memory_space<semaphore_mem>>
    %dma_start3A_14 = tpu.memref_squeeze %dma_start3A_13 : memref<1x!tpu.dma_semaphore, #tpu.memory_space<semaphore_mem>> -> memref<!tpu.dma_semaphore, #tpu.memory_space<semaphore_mem>>
    tpu.enqueue_indirect_dma source(%dma_start3A_12 : memref<1000000x64xf32, #tpu.memory_space<hbm>>) target(%dma_start3A_7 : memref<128x64xf32, #tpu.memory_space<vmem>>) offsets(%dma_start3A_9 : memref<128xi32, #tpu.memory_space<vmem>>) semaphore(%dma_start3A_14 : memref<!tpu.dma_semaphore, #tpu.memory_space<semaphore_mem>>)
    %dma_start3A_15 = arith.constant 1 : i32
    %dma_start3A_16 = arith.constant 1 : i32
    %dma_start3A_17 = arith.constant 0 : i32
    %dma_start3A_18 = arith.constant 0 : i32
    %dma_start3A_19 = tpu.memref_slice %arg6[%dma_start3A_15, %dma_start3A_17, %dma_start3A_18] : memref<8x128x64xf32, #tpu.memory_space<vmem>> -> memref<1x128x64xf32, #tpu.memory_space<vmem>>
    %dma_start3A_20 = tpu.memref_squeeze %dma_start3A_19 : memref<1x128x64xf32, #tpu.memory_space<vmem>> -> memref<128x64xf32, #tpu.memory_space<vmem>>
    %dma_start3A_21 = arith.constant 128 : i32
    %dma_start3A_22 = tpu.memref_slice %arg5[%dma_start3A_21] : memref<25600xi32, #tpu.memory_space<vmem>> -> memref<128xi32, #tpu.memory_space<vmem>>
    %dma_start3A_23 = arith.constant 0 : i32
    %dma_start3A_24 = arith.constant 0 : i32
    %dma_start3A_25 = tpu.memref_slice %arg3[%dma_start3A_23, %dma_start3A_24] : memref<1000000x64xf32, #tpu.memory_space<hbm>> -> memref<1000000x64xf32, #tpu.memory_space<hbm>>
    %dma_start3A_26 = tpu.memref_slice %arg7[%dma_start3A_16] : memref<8x!tpu.dma_semaphore, #tpu.memory_space<semaphore_mem>> -> memref<1x!tpu.dma_semaphore, #tpu.memory_space<semaphore_mem>>
    %dma_start3A_27 = tpu.memref_squeeze %dma_start3A_26 : memref<1x!tpu.dma_semaphore, #tpu.memory_space<semaphore_mem>> -> memref<!tpu.dma_semaphore, #tpu.memory_space<semaphore_mem>>
    tpu.enqueue_indirect_dma source(%dma_start3A_25 : memref<1000000x64xf32, #tpu.memory_space<hbm>>) target(%dma_start3A_20 : memref<128x64xf32, #tpu.memory_space<vmem>>) offsets(%dma_start3A_22 : memref<128xi32, #tpu.memory_space<vmem>>) semaphore(%dma_start3A_27 : memref<!tpu.dma_semaphore, #tpu.memory_space<semaphore_mem>>)
    %dma_start3A_28 = arith.constant 2 : i32
    %dma_start3A_29 = arith.constant 2 : i32
    %dma_start3A_30 = arith.constant 0 : i32
    %dma_start3A_31 = arith.constant 0 : i32
    %dma_start3A_32 = tpu.memref_slice %arg6[%dma_start3A_28, %dma_start3A_30, %dma_start3A_31] : memref<8x128x64xf32, #tpu.memory_space<vmem>> -> memref<1x128x64xf32, #tpu.memory_space<vmem>>
    %dma_start3A_33 = tpu.memref_squeeze %dma_start3A_32 : memref<1x128x64xf32, #tpu.memory_space<vmem>> -> memref<128x64xf32, #tpu.memory_space<vmem>>
    %dma_start3A_34 = arith.constant 256 : i32
    %dma_start3A_35 = tpu.memref_slice %arg5[%dma_start3A_34] : memref<25600xi32, #tpu.memory_space<vmem>> -> memref<128xi32, #tpu.memory_space<vmem>>
    %dma_start3A_36 = arith.constant 0 : i32
    %dma_start3A_37 = arith.constant 0 : i32
    %dma_start3A_38 = tpu.memref_slice %arg3[%dma_start3A_36, %dma_start3A_37] : memref<1000000x64xf32, #tpu.memory_space<hbm>> -> memref<1000000x64xf32, #tpu.memory_space<hbm>>
    %dma_start3A_39 = tpu.memref_slice %arg7[%dma_start3A_29] : memref<8x!tpu.dma_semaphore, #tpu.memory_space<semaphore_mem>> -> memref<1x!tpu.dma_semaphore, #tpu.memory_space<semaphore_mem>>
    %dma_start3A_40 = tpu.memref_squeeze %dma_start3A_39 : memref<1x!tpu.dma_semaphore, #tpu.memory_space<semaphore_mem>> -> memref<!tpu.dma_semaphore, #tpu.memory_space<semaphore_mem>>
    tpu.enqueue_indirect_dma source(%dma_start3A_38 : memref<1000000x64xf32, #tpu.memory_space<hbm>>) target(%dma_start3A_33 : memref<128x64xf32, #tpu.memory_space<vmem>>) offsets(%dma_start3A_35 : memref<128xi32, #tpu.memory_space<vmem>>) semaphore(%dma_start3A_40 : memref<!tpu.dma_semaphore, #tpu.memory_space<semaphore_mem>>)
    %dma_start3A_41 = arith.constant 3 : i32
    %dma_start3A_42 = arith.constant 3 : i32
    %dma_start3A_43 = arith.constant 0 : i32
    %dma_start3A_44 = arith.constant 0 : i32
    %dma_start3A_45 = tpu.memref_slice %arg6[%dma_start3A_41, %dma_start3A_43, %dma_start3A_44] : memref<8x128x64xf32, #tpu.memory_space<vmem>> -> memref<1x128x64xf32, #tpu.memory_space<vmem>>
    %dma_start3A_46 = tpu.memref_squeeze %dma_start3A_45 : memref<1x128x64xf32, #tpu.memory_space<vmem>> -> memref<128x64xf32, #tpu.memory_space<vmem>>
    %dma_start3A_47 = arith.constant 384 : i32
    %dma_start3A_48 = tpu.memref_slice %arg5[%dma_start3A_47] : memref<25600xi32, #tpu.memory_space<vmem>> -> memref<128xi32, #tpu.memory_space<vmem>>
    %dma_start3A_49 = arith.constant 0 : i32
    %dma_start3A_50 = arith.constant 0 : i32
    %dma_start3A_51 = tpu.memref_slice %arg3[%dma_start3A_49, %dma_start3A_50] : memref<1000000x64xf32, #tpu.memory_space<hbm>> -> memref<1000000x64xf32, #tpu.memory_space<hbm>>
    %dma_start3A_52 = tpu.memref_slice %arg7[%dma_start3A_42] : memref<8x!tpu.dma_semaphore, #tpu.memory_space<semaphore_mem>> -> memref<1x!tpu.dma_semaphore, #tpu.memory_space<semaphore_mem>>
    %dma_start3A_53 = tpu.memref_squeeze %dma_start3A_52 : memref<1x!tpu.dma_semaphore, #tpu.memory_space<semaphore_mem>> -> memref<!tpu.dma_semaphore, #tpu.memory_space<semaphore_mem>>
    tpu.enqueue_indirect_dma source(%dma_start3A_51 : memref<1000000x64xf32, #tpu.memory_space<hbm>>) target(%dma_start3A_46 : memref<128x64xf32, #tpu.memory_space<vmem>>) offsets(%dma_start3A_48 : memref<128xi32, #tpu.memory_space<vmem>>) semaphore(%dma_start3A_53 : memref<!tpu.dma_semaphore, #tpu.memory_space<semaphore_mem>>)
    %dma_start3A_54 = arith.constant 4 : i32
    %dma_start3A_55 = arith.constant 4 : i32
    %dma_start3A_56 = arith.constant 0 : i32
    %dma_start3A_57 = arith.constant 0 : i32
    %dma_start3A_58 = tpu.memref_slice %arg6[%dma_start3A_54, %dma_start3A_56, %dma_start3A_57] : memref<8x128x64xf32, #tpu.memory_space<vmem>> -> memref<1x128x64xf32, #tpu.memory_space<vmem>>
    %dma_start3A_59 = tpu.memref_squeeze %dma_start3A_58 : memref<1x128x64xf32, #tpu.memory_space<vmem>> -> memref<128x64xf32, #tpu.memory_space<vmem>>
    %dma_start3A_60 = arith.constant 512 : i32
    %dma_start3A_61 = tpu.memref_slice %arg5[%dma_start3A_60] : memref<25600xi32, #tpu.memory_space<vmem>> -> memref<128xi32, #tpu.memory_space<vmem>>
    %dma_start3A_62 = arith.constant 0 : i32
    %dma_start3A_63 = arith.constant 0 : i32
    %dma_start3A_64 = tpu.memref_slice %arg3[%dma_start3A_62, %dma_start3A_63] : memref<1000000x64xf32, #tpu.memory_space<hbm>> -> memref<1000000x64xf32, #tpu.memory_space<hbm>>
    %dma_start3A_65 = tpu.memref_slice %arg7[%dma_start3A_55] : memref<8x!tpu.dma_semaphore, #tpu.memory_space<semaphore_mem>> -> memref<1x!tpu.dma_semaphore, #tpu.memory_space<semaphore_mem>>
    %dma_start3A_66 = tpu.memref_squeeze %dma_start3A_65 : memref<1x!tpu.dma_semaphore, #tpu.memory_space<semaphore_mem>> -> memref<!tpu.dma_semaphore, #tpu.memory_space<semaphore_mem>>
    tpu.enqueue_indirect_dma source(%dma_start3A_64 : memref<1000000x64xf32, #tpu.memory_space<hbm>>) target(%dma_start3A_59 : memref<128x64xf32, #tpu.memory_space<vmem>>) offsets(%dma_start3A_61 : memref<128xi32, #tpu.memory_space<vmem>>) semaphore(%dma_start3A_66 : memref<!tpu.dma_semaphore, #tpu.memory_space<semaphore_mem>>)
    %dma_start3A_67 = arith.constant 5 : i32
    %dma_start3A_68 = arith.constant 5 : i32
    %dma_start3A_69 = arith.constant 0 : i32
    %dma_start3A_70 = arith.constant 0 : i32
    %dma_start3A_71 = tpu.memref_slice %arg6[%dma_start3A_67, %dma_start3A_69, %dma_start3A_70] : memref<8x128x64xf32, #tpu.memory_space<vmem>> -> memref<1x128x64xf32, #tpu.memory_space<vmem>>
    %dma_start3A_72 = tpu.memref_squeeze %dma_start3A_71 : memref<1x128x64xf32, #tpu.memory_space<vmem>> -> memref<128x64xf32, #tpu.memory_space<vmem>>
    %dma_start3A_73 = arith.constant 640 : i32
    %dma_start3A_74 = tpu.memref_slice %arg5[%dma_start3A_73] : memref<25600xi32, #tpu.memory_space<vmem>> -> memref<128xi32, #tpu.memory_space<vmem>>
    %dma_start3A_75 = arith.constant 0 : i32
    %dma_start3A_76 = arith.constant 0 : i32
    %dma_start3A_77 = tpu.memref_slice %arg3[%dma_start3A_75, %dma_start3A_76] : memref<1000000x64xf32, #tpu.memory_space<hbm>> -> memref<1000000x64xf32, #tpu.memory_space<hbm>>
    %dma_start3A_78 = tpu.memref_slice %arg7[%dma_start3A_68] : memref<8x!tpu.dma_semaphore, #tpu.memory_space<semaphore_mem>> -> memref<1x!tpu.dma_semaphore, #tpu.memory_space<semaphore_mem>>
    %dma_start3A_79 = tpu.memref_squeeze %dma_start3A_78 : memref<1x!tpu.dma_semaphore, #tpu.memory_space<semaphore_mem>> -> memref<!tpu.dma_semaphore, #tpu.memory_space<semaphore_mem>>
    tpu.enqueue_indirect_dma source(%dma_start3A_77 : memref<1000000x64xf32, #tpu.memory_space<hbm>>) target(%dma_start3A_72 : memref<128x64xf32, #tpu.memory_space<vmem>>) offsets(%dma_start3A_74 : memref<128xi32, #tpu.memory_space<vmem>>) semaphore(%dma_start3A_79 : memref<!tpu.dma_semaphore, #tpu.memory_space<semaphore_mem>>)
    %scan3A = arith.constant 0 : i32
    %scan3A_80 = arith.constant 25 : i32
    %scan3A_81 = arith.addi %scan3A, %scan3A_80 : i32
    %scan3A_82 = arith.constant 1 : i32
    scf.for %scan3A_211 = %scan3A to %scan3A_81 step %scan3A_82  : i32 {
      %mul3A_212 = arith.constant 8 : i32
      %mul3A_213 = arith.muli %scan3A_211, %mul3A_212 : i32
      %add3A_214 = arith.constant 0 : i32
      %add3A_215 = arith.addi %add3A_214, %mul3A_213 : i32
      %add3A_216 = arith.constant 0 : i32
      %add3A_217 = arith.addi %add3A_215, %add3A_216 : i32
      %dma_wait3A_218 = arith.constant 0 : i32
      %dma_wait3A_219 = arith.constant 0 : i32
      %dma_wait3A_220 = arith.constant 0 : i32
      %dma_wait3A_221 = arith.constant 0 : i32
      %dma_wait3A_222 = tpu.memref_slice %arg6[%dma_wait3A_218, %dma_wait3A_220, %dma_wait3A_221] : memref<8x128x64xf32, #tpu.memory_space<vmem>> -> memref<1x128x64xf32, #tpu.memory_space<vmem>>
      %dma_wait3A_223 = tpu.memref_squeeze %dma_wait3A_222 : memref<1x128x64xf32, #tpu.memory_space<vmem>> -> memref<128x64xf32, #tpu.memory_space<vmem>>
      %dma_wait3A_224 = arith.constant 0 : i32
      %dma_wait3A_225 = tpu.memref_slice %arg4[%mul3A_2, %dma_wait3A_224] : memref<819200x64xf32, #tpu.memory_space<hbm>> -> memref<128x64xf32, #tpu.memory_space<hbm>>
      %dma_wait3A_226 = tpu.memref_slice %arg7[%dma_wait3A_219] : memref<8x!tpu.dma_semaphore, #tpu.memory_space<semaphore_mem>> -> memref<1x!tpu.dma_semaphore, #tpu.memory_space<semaphore_mem>>
      %dma_wait3A_227 = tpu.memref_squeeze %dma_wait3A_226 : memref<1x!tpu.dma_semaphore, #tpu.memory_space<semaphore_mem>> -> memref<!tpu.dma_semaphore, #tpu.memory_space<semaphore_mem>>
      %dma_wait3A_228 = arith.constant 0 : i32
      %dma_wait3A_229 = arith.constant 0 : i32
      %dma_wait3A_230 = tpu.memref_slice %arg6[%dma_wait3A_218, %dma_wait3A_228, %dma_wait3A_229] : memref<8x128x64xf32, #tpu.memory_space<vmem>> -> memref<1x128x64xf32, #tpu.memory_space<vmem>>
      %dma_wait3A_231 = tpu.memref_squeeze %dma_wait3A_230 : memref<1x128x64xf32, #tpu.memory_space<vmem>> -> memref<128x64xf32, #tpu.memory_space<vmem>>
      %dma_wait3A_232 = arith.constant 0 : i32
      %dma_wait3A_233 = tpu.memref_slice %arg4[%mul3A_2, %dma_wait3A_232] : memref<819200x64xf32, #tpu.memory_space<hbm>> -> memref<128x64xf32, #tpu.memory_space<hbm>>
      tpu.wait_dma2 semaphore(%dma_wait3A_227 : memref<!tpu.dma_semaphore, #tpu.memory_space<semaphore_mem>>) src(%dma_wait3A_233 : memref<128x64xf32, #tpu.memory_space<hbm>>) dst(%dma_wait3A_231 : memref<128x64xf32, #tpu.memory_space<vmem>>)
      %mul3A_234 = arith.constant 128 : i32
      %mul3A_235 = arith.muli %add3A_217, %mul3A_234 : i32
      %add3A_236 = arith.addi %mul3A_2, %mul3A_235 : i32
      %dma_start3A_237 = arith.constant 0 : i32
      %dma_start3A_238 = arith.constant 0 : i32
      %dma_start3A_239 = arith.constant 0 : i32
      %dma_start3A_240 = arith.constant 0 : i32
      %dma_start3A_241 = tpu.memref_slice %arg6[%dma_start3A_237, %dma_start3A_239, %dma_start3A_240] : memref<8x128x64xf32, #tpu.memory_space<vmem>> -> memref<1x128x64xf32, #tpu.memory_space<vmem>>
      %dma_start3A_242 = tpu.memref_squeeze %dma_start3A_241 : memref<1x128x64xf32, #tpu.memory_space<vmem>> -> memref<128x64xf32, #tpu.memory_space<vmem>>
      %dma_start3A_243 = arith.constant 0 : i32
      %dma_start3A_244 = tpu.memref_slice %arg4[%add3A_236, %dma_start3A_243] : memref<819200x64xf32, #tpu.memory_space<hbm>> -> memref<128x64xf32, #tpu.memory_space<hbm>>
      %dma_start3A_245 = tpu.memref_slice %arg8[%dma_start3A_238] : memref<8x!tpu.dma_semaphore, #tpu.memory_space<semaphore_mem>> -> memref<1x!tpu.dma_semaphore, #tpu.memory_space<semaphore_mem>>
      %dma_start3A_246 = tpu.memref_squeeze %dma_start3A_245 : memref<1x!tpu.dma_semaphore, #tpu.memory_space<semaphore_mem>> -> memref<!tpu.dma_semaphore, #tpu.memory_space<semaphore_mem>>
      %dma_start3A_247 = arith.constant 0 : i32
      %dma_start3A_248 = tpu.memref_slice %arg4[%add3A_236, %dma_start3A_247] : memref<819200x64xf32, #tpu.memory_space<hbm>> -> memref<128x64xf32, #tpu.memory_space<hbm>>
      %dma_start3A_249 = arith.constant 0 : i32
      %dma_start3A_250 = arith.constant 0 : i32
      %dma_start3A_251 = tpu.memref_slice %arg6[%dma_start3A_237, %dma_start3A_249, %dma_start3A_250] : memref<8x128x64xf32, #tpu.memory_space<vmem>> -> memref<1x128x64xf32, #tpu.memory_space<vmem>>
      %dma_start3A_252 = tpu.memref_squeeze %dma_start3A_251 : memref<1x128x64xf32, #tpu.memory_space<vmem>> -> memref<128x64xf32, #tpu.memory_space<vmem>>
      tpu.enqueue_dma source(%dma_start3A_252 : memref<128x64xf32, #tpu.memory_space<vmem>>) target(%dma_start3A_248 : memref<128x64xf32, #tpu.memory_space<hbm>>) target_semaphore(%dma_start3A_246 : memref<!tpu.dma_semaphore, #tpu.memory_space<semaphore_mem>>)
      %add3A_253 = arith.constant 6 : i32
      %add3A_254 = arith.addi %add3A_217, %add3A_253 : i32
      %lt3A = arith.constant 200 : i32
      %lt3A_255 = arith.cmpi slt, %add3A_254, %lt3A : i32
      %convert_element_type3A = arith.extui %lt3A_255 : i1 to i32
      %cond3A = arith.constant 0 : i32
      %cond3A_256 = arith.cmpi ne, %convert_element_type3A, %cond3A : i32
      scf.if %cond3A_256 {
        %ge3A = arith.constant 8 : i32
        %ge3A_565 = arith.cmpi sge, %add3A_254, %ge3A : i32
        %convert_element_type3A_566 = arith.extui %ge3A_565 : i1 to i32
        %cond3A_567 = arith.constant 0 : i32
        %cond3A_568 = arith.cmpi ne, %convert_element_type3A_566, %cond3A_567 : i32
        scf.if %cond3A_568 {
          %dma_wait3A_583 = arith.constant 6 : i32
          %dma_wait3A_584 = arith.constant 6 : i32
          %dma_wait3A_585 = arith.constant 0 : i32
          %dma_wait3A_586 = arith.constant 0 : i32
          %dma_wait3A_587 = tpu.memref_slice %arg6[%dma_wait3A_583, %dma_wait3A_585, %dma_wait3A_586] : memref<8x128x64xf32, #tpu.memory_space<vmem>> -> memref<1x128x64xf32, #tpu.memory_space<vmem>>
          %dma_wait3A_588 = tpu.memref_squeeze %dma_wait3A_587 : memref<1x128x64xf32, #tpu.memory_space<vmem>> -> memref<128x64xf32, #tpu.memory_space<vmem>>
          %dma_wait3A_589 = arith.constant 0 : i32
          %dma_wait3A_590 = tpu.memref_slice %arg4[%mul3A_2, %dma_wait3A_589] : memref<819200x64xf32, #tpu.memory_space<hbm>> -> memref<128x64xf32, #tpu.memory_space<hbm>>
          %dma_wait3A_591 = tpu.memref_slice %arg8[%dma_wait3A_584] : memref<8x!tpu.dma_semaphore, #tpu.memory_space<semaphore_mem>> -> memref<1x!tpu.dma_semaphore, #tpu.memory_space<semaphore_mem>>
          %dma_wait3A_592 = tpu.memref_squeeze %dma_wait3A_591 : memref<1x!tpu.dma_semaphore, #tpu.memory_space<semaphore_mem>> -> memref<!tpu.dma_semaphore, #tpu.memory_space<semaphore_mem>>
          %dma_wait3A_593 = arith.constant 0 : i32
          %dma_wait3A_594 = arith.constant 0 : i32
          %dma_wait3A_595 = tpu.memref_slice %arg6[%dma_wait3A_583, %dma_wait3A_593, %dma_wait3A_594] : memref<8x128x64xf32, #tpu.memory_space<vmem>> -> memref<1x128x64xf32, #tpu.memory_space<vmem>>
          %dma_wait3A_596 = tpu.memref_squeeze %dma_wait3A_595 : memref<1x128x64xf32, #tpu.memory_space<vmem>> -> memref<128x64xf32, #tpu.memory_space<vmem>>
          %dma_wait3A_597 = arith.constant 0 : i32
          %dma_wait3A_598 = tpu.memref_slice %arg4[%mul3A_2, %dma_wait3A_597] : memref<819200x64xf32, #tpu.memory_space<hbm>> -> memref<128x64xf32, #tpu.memory_space<hbm>>
          tpu.wait_dma2 semaphore(%dma_wait3A_592 : memref<!tpu.dma_semaphore, #tpu.memory_space<semaphore_mem>>) src(%dma_wait3A_598 : memref<128x64xf32, #tpu.memory_space<hbm>>) dst(%dma_wait3A_596 : memref<128x64xf32, #tpu.memory_space<vmem>>)
        } else {
        }
        %mul3A_569 = arith.constant 128 : i32
        %mul3A_570 = arith.muli %add3A_254, %mul3A_569 : i32
        %dma_start3A_571 = arith.constant 6 : i32
        %dma_start3A_572 = arith.constant 6 : i32
        %dma_start3A_573 = arith.constant 0 : i32
        %dma_start3A_574 = arith.constant 0 : i32
        %dma_start3A_575 = tpu.memref_slice %arg6[%dma_start3A_571, %dma_start3A_573, %dma_start3A_574] : memref<8x128x64xf32, #tpu.memory_space<vmem>> -> memref<1x128x64xf32, #tpu.memory_space<vmem>>
        %dma_start3A_576 = tpu.memref_squeeze %dma_start3A_575 : memref<1x128x64xf32, #tpu.memory_space<vmem>> -> memref<128x64xf32, #tpu.memory_space<vmem>>
        %dma_start3A_577 = tpu.memref_slice %arg5[%mul3A_570] : memref<25600xi32, #tpu.memory_space<vmem>> -> memref<128xi32, #tpu.memory_space<vmem>>
        %dma_start3A_578 = arith.constant 0 : i32
        %dma_start3A_579 = arith.constant 0 : i32
        %dma_start3A_580 = tpu.memref_slice %arg3[%dma_start3A_578, %dma_start3A_579] : memref<1000000x64xf32, #tpu.memory_space<hbm>> -> memref<1000000x64xf32, #tpu.memory_space<hbm>>
        %dma_start3A_581 = tpu.memref_slice %arg7[%dma_start3A_572] : memref<8x!tpu.dma_semaphore, #tpu.memory_space<semaphore_mem>> -> memref<1x!tpu.dma_semaphore, #tpu.memory_space<semaphore_mem>>
        %dma_start3A_582 = tpu.memref_squeeze %dma_start3A_581 : memref<1x!tpu.dma_semaphore, #tpu.memory_space<semaphore_mem>> -> memref<!tpu.dma_semaphore, #tpu.memory_space<semaphore_mem>>
        tpu.enqueue_indirect_dma source(%dma_start3A_580 : memref<1000000x64xf32, #tpu.memory_space<hbm>>) target(%dma_start3A_576 : memref<128x64xf32, #tpu.memory_space<vmem>>) offsets(%dma_start3A_577 : memref<128xi32, #tpu.memory_space<vmem>>) semaphore(%dma_start3A_582 : memref<!tpu.dma_semaphore, #tpu.memory_space<semaphore_mem>>)
      } else {
      }
      %add3A_257 = arith.constant 1 : i32
      %add3A_258 = arith.addi %add3A_215, %add3A_257 : i32
      %dma_wait3A_259 = arith.constant 1 : i32
      %dma_wait3A_260 = arith.constant 1 : i32
      %dma_wait3A_261 = arith.constant 0 : i32
      %dma_wait3A_262 = arith.constant 0 : i32
      %dma_wait3A_263 = tpu.memref_slice %arg6[%dma_wait3A_259, %dma_wait3A_261, %dma_wait3A_262] : memref<8x128x64xf32, #tpu.memory_space<vmem>> -> memref<1x128x64xf32, #tpu.memory_space<vmem>>
      %dma_wait3A_264 = tpu.memref_squeeze %dma_wait3A_263 : memref<1x128x64xf32, #tpu.memory_space<vmem>> -> memref<128x64xf32, #tpu.memory_space<vmem>>
      %dma_wait3A_265 = arith.constant 0 : i32
      %dma_wait3A_266 = tpu.memref_slice %arg4[%mul3A_2, %dma_wait3A_265] : memref<819200x64xf32, #tpu.memory_space<hbm>> -> memref<128x64xf32, #tpu.memory_space<hbm>>
      %dma_wait3A_267 = tpu.memref_slice %arg7[%dma_wait3A_260] : memref<8x!tpu.dma_semaphore, #tpu.memory_space<semaphore_mem>> -> memref<1x!tpu.dma_semaphore, #tpu.memory_space<semaphore_mem>>
      %dma_wait3A_268 = tpu.memref_squeeze %dma_wait3A_267 : memref<1x!tpu.dma_semaphore, #tpu.memory_space<semaphore_mem>> -> memref<!tpu.dma_semaphore, #tpu.memory_space<semaphore_mem>>
      %dma_wait3A_269 = arith.constant 0 : i32
      %dma_wait3A_270 = arith.constant 0 : i32
      %dma_wait3A_271 = tpu.memref_slice %arg6[%dma_wait3A_259, %dma_wait3A_269, %dma_wait3A_270] : memref<8x128x64xf32, #tpu.memory_space<vmem>> -> memref<1x128x64xf32, #tpu.memory_space<vmem>>
      %dma_wait3A_272 = tpu.memref_squeeze %dma_wait3A_271 : memref<1x128x64xf32, #tpu.memory_space<vmem>> -> memref<128x64xf32, #tpu.memory_space<vmem>>
      %dma_wait3A_273 = arith.constant 0 : i32
      %dma_wait3A_274 = tpu.memref_slice %arg4[%mul3A_2, %dma_wait3A_273] : memref<819200x64xf32, #tpu.memory_space<hbm>> -> memref<128x64xf32, #tpu.memory_space<hbm>>
      tpu.wait_dma2 semaphore(%dma_wait3A_268 : memref<!tpu.dma_semaphore, #tpu.memory_space<semaphore_mem>>) src(%dma_wait3A_274 : memref<128x64xf32, #tpu.memory_space<hbm>>) dst(%dma_wait3A_272 : memref<128x64xf32, #tpu.memory_space<vmem>>)
      %mul3A_275 = arith.constant 128 : i32
      %mul3A_276 = arith.muli %add3A_258, %mul3A_275 : i32
      %add3A_277 = arith.addi %mul3A_2, %mul3A_276 : i32
      %dma_start3A_278 = arith.constant 1 : i32
      %dma_start3A_279 = arith.constant 1 : i32
      %dma_start3A_280 = arith.constant 0 : i32
      %dma_start3A_281 = arith.constant 0 : i32
      %dma_start3A_282 = tpu.memref_slice %arg6[%dma_start3A_278, %dma_start3A_280, %dma_start3A_281] : memref<8x128x64xf32, #tpu.memory_space<vmem>> -> memref<1x128x64xf32, #tpu.memory_space<vmem>>
      %dma_start3A_283 = tpu.memref_squeeze %dma_start3A_282 : memref<1x128x64xf32, #tpu.memory_space<vmem>> -> memref<128x64xf32, #tpu.memory_space<vmem>>
      %dma_start3A_284 = arith.constant 0 : i32
      %dma_start3A_285 = tpu.memref_slice %arg4[%add3A_277, %dma_start3A_284] : memref<819200x64xf32, #tpu.memory_space<hbm>> -> memref<128x64xf32, #tpu.memory_space<hbm>>
      %dma_start3A_286 = tpu.memref_slice %arg8[%dma_start3A_279] : memref<8x!tpu.dma_semaphore, #tpu.memory_space<semaphore_mem>> -> memref<1x!tpu.dma_semaphore, #tpu.memory_space<semaphore_mem>>
      %dma_start3A_287 = tpu.memref_squeeze %dma_start3A_286 : memref<1x!tpu.dma_semaphore, #tpu.memory_space<semaphore_mem>> -> memref<!tpu.dma_semaphore, #tpu.memory_space<semaphore_mem>>
      %dma_start3A_288 = arith.constant 0 : i32
      %dma_start3A_289 = tpu.memref_slice %arg4[%add3A_277, %dma_start3A_288] : memref<819200x64xf32, #tpu.memory_space<hbm>> -> memref<128x64xf32, #tpu.memory_space<hbm>>
      %dma_start3A_290 = arith.constant 0 : i32
      %dma_start3A_291 = arith.constant 0 : i32
      %dma_start3A_292 = tpu.memref_slice %arg6[%dma_start3A_278, %dma_start3A_290, %dma_start3A_291] : memref<8x128x64xf32, #tpu.memory_space<vmem>> -> memref<1x128x64xf32, #tpu.memory_space<vmem>>
      %dma_start3A_293 = tpu.memref_squeeze %dma_start3A_292 : memref<1x128x64xf32, #tpu.memory_space<vmem>> -> memref<128x64xf32, #tpu.memory_space<vmem>>
      tpu.enqueue_dma source(%dma_start3A_293 : memref<128x64xf32, #tpu.memory_space<vmem>>) target(%dma_start3A_289 : memref<128x64xf32, #tpu.memory_space<hbm>>) target_semaphore(%dma_start3A_287 : memref<!tpu.dma_semaphore, #tpu.memory_space<semaphore_mem>>)
      %add3A_294 = arith.constant 6 : i32
      %add3A_295 = arith.addi %add3A_258, %add3A_294 : i32
      %lt3A_296 = arith.constant 200 : i32
      %lt3A_297 = arith.cmpi slt, %add3A_295, %lt3A_296 : i32
      %convert_element_type3A_298 = arith.extui %lt3A_297 : i1 to i32
      %cond3A_299 = arith.constant 0 : i32
      %cond3A_300 = arith.cmpi ne, %convert_element_type3A_298, %cond3A_299 : i32
      scf.if %cond3A_300 {
        %ge3A = arith.constant 8 : i32
        %ge3A_565 = arith.cmpi sge, %add3A_295, %ge3A : i32
        %convert_element_type3A_566 = arith.extui %ge3A_565 : i1 to i32
        %cond3A_567 = arith.constant 0 : i32
        %cond3A_568 = arith.cmpi ne, %convert_element_type3A_566, %cond3A_567 : i32
        scf.if %cond3A_568 {
          %dma_wait3A_583 = arith.constant 7 : i32
          %dma_wait3A_584 = arith.constant 7 : i32
          %dma_wait3A_585 = arith.constant 0 : i32
          %dma_wait3A_586 = arith.constant 0 : i32
          %dma_wait3A_587 = tpu.memref_slice %arg6[%dma_wait3A_583, %dma_wait3A_585, %dma_wait3A_586] : memref<8x128x64xf32, #tpu.memory_space<vmem>> -> memref<1x128x64xf32, #tpu.memory_space<vmem>>
          %dma_wait3A_588 = tpu.memref_squeeze %dma_wait3A_587 : memref<1x128x64xf32, #tpu.memory_space<vmem>> -> memref<128x64xf32, #tpu.memory_space<vmem>>
          %dma_wait3A_589 = arith.constant 0 : i32
          %dma_wait3A_590 = tpu.memref_slice %arg4[%mul3A_2, %dma_wait3A_589] : memref<819200x64xf32, #tpu.memory_space<hbm>> -> memref<128x64xf32, #tpu.memory_space<hbm>>
          %dma_wait3A_591 = tpu.memref_slice %arg8[%dma_wait3A_584] : memref<8x!tpu.dma_semaphore, #tpu.memory_space<semaphore_mem>> -> memref<1x!tpu.dma_semaphore, #tpu.memory_space<semaphore_mem>>
          %dma_wait3A_592 = tpu.memref_squeeze %dma_wait3A_591 : memref<1x!tpu.dma_semaphore, #tpu.memory_space<semaphore_mem>> -> memref<!tpu.dma_semaphore, #tpu.memory_space<semaphore_mem>>
          %dma_wait3A_593 = arith.constant 0 : i32
          %dma_wait3A_594 = arith.constant 0 : i32
          %dma_wait3A_595 = tpu.memref_slice %arg6[%dma_wait3A_583, %dma_wait3A_593, %dma_wait3A_594] : memref<8x128x64xf32, #tpu.memory_space<vmem>> -> memref<1x128x64xf32, #tpu.memory_space<vmem>>
          %dma_wait3A_596 = tpu.memref_squeeze %dma_wait3A_595 : memref<1x128x64xf32, #tpu.memory_space<vmem>> -> memref<128x64xf32, #tpu.memory_space<vmem>>
          %dma_wait3A_597 = arith.constant 0 : i32
          %dma_wait3A_598 = tpu.memref_slice %arg4[%mul3A_2, %dma_wait3A_597] : memref<819200x64xf32, #tpu.memory_space<hbm>> -> memref<128x64xf32, #tpu.memory_space<hbm>>
          tpu.wait_dma2 semaphore(%dma_wait3A_592 : memref<!tpu.dma_semaphore, #tpu.memory_space<semaphore_mem>>) src(%dma_wait3A_598 : memref<128x64xf32, #tpu.memory_space<hbm>>) dst(%dma_wait3A_596 : memref<128x64xf32, #tpu.memory_space<vmem>>)
        } else {
        }
        %mul3A_569 = arith.constant 128 : i32
        %mul3A_570 = arith.muli %add3A_295, %mul3A_569 : i32
        %dma_start3A_571 = arith.constant 7 : i32
        %dma_start3A_572 = arith.constant 7 : i32
        %dma_start3A_573 = arith.constant 0 : i32
        %dma_start3A_574 = arith.constant 0 : i32
        %dma_start3A_575 = tpu.memref_slice %arg6[%dma_start3A_571, %dma_start3A_573, %dma_start3A_574] : memref<8x128x64xf32, #tpu.memory_space<vmem>> -> memref<1x128x64xf32, #tpu.memory_space<vmem>>
        %dma_start3A_576 = tpu.memref_squeeze %dma_start3A_575 : memref<1x128x64xf32, #tpu.memory_space<vmem>> -> memref<128x64xf32, #tpu.memory_space<vmem>>
        %dma_start3A_577 = tpu.memref_slice %arg5[%mul3A_570] : memref<25600xi32, #tpu.memory_space<vmem>> -> memref<128xi32, #tpu.memory_space<vmem>>
        %dma_start3A_578 = arith.constant 0 : i32
        %dma_start3A_579 = arith.constant 0 : i32
        %dma_start3A_580 = tpu.memref_slice %arg3[%dma_start3A_578, %dma_start3A_579] : memref<1000000x64xf32, #tpu.memory_space<hbm>> -> memref<1000000x64xf32, #tpu.memory_space<hbm>>
        %dma_start3A_581 = tpu.memref_slice %arg7[%dma_start3A_572] : memref<8x!tpu.dma_semaphore, #tpu.memory_space<semaphore_mem>> -> memref<1x!tpu.dma_semaphore, #tpu.memory_space<semaphore_mem>>
        %dma_start3A_582 = tpu.memref_squeeze %dma_start3A_581 : memref<1x!tpu.dma_semaphore, #tpu.memory_space<semaphore_mem>> -> memref<!tpu.dma_semaphore, #tpu.memory_space<semaphore_mem>>
        tpu.enqueue_indirect_dma source(%dma_start3A_580 : memref<1000000x64xf32, #tpu.memory_space<hbm>>) target(%dma_start3A_576 : memref<128x64xf32, #tpu.memory_space<vmem>>) offsets(%dma_start3A_577 : memref<128xi32, #tpu.memory_space<vmem>>) semaphore(%dma_start3A_582 : memref<!tpu.dma_semaphore, #tpu.memory_space<semaphore_mem>>)
      } else {
      }
      %add3A_301 = arith.constant 2 : i32
      %add3A_302 = arith.addi %add3A_215, %add3A_301 : i32
      %dma_wait3A_303 = arith.constant 2 : i32
      %dma_wait3A_304 = arith.constant 2 : i32
      %dma_wait3A_305 = arith.constant 0 : i32
      %dma_wait3A_306 = arith.constant 0 : i32
      %dma_wait3A_307 = tpu.memref_slice %arg6[%dma_wait3A_303, %dma_wait3A_305, %dma_wait3A_306] : memref<8x128x64xf32, #tpu.memory_space<vmem>> -> memref<1x128x64xf32, #tpu.memory_space<vmem>>
      %dma_wait3A_308 = tpu.memref_squeeze %dma_wait3A_307 : memref<1x128x64xf32, #tpu.memory_space<vmem>> -> memref<128x64xf32, #tpu.memory_space<vmem>>
      %dma_wait3A_309 = arith.constant 0 : i32
      %dma_wait3A_310 = tpu.memref_slice %arg4[%mul3A_2, %dma_wait3A_309] : memref<819200x64xf32, #tpu.memory_space<hbm>> -> memref<128x64xf32, #tpu.memory_space<hbm>>
      %dma_wait3A_311 = tpu.memref_slice %arg7[%dma_wait3A_304] : memref<8x!tpu.dma_semaphore, #tpu.memory_space<semaphore_mem>> -> memref<1x!tpu.dma_semaphore, #tpu.memory_space<semaphore_mem>>
      %dma_wait3A_312 = tpu.memref_squeeze %dma_wait3A_311 : memref<1x!tpu.dma_semaphore, #tpu.memory_space<semaphore_mem>> -> memref<!tpu.dma_semaphore, #tpu.memory_space<semaphore_mem>>
      %dma_wait3A_313 = arith.constant 0 : i32
      %dma_wait3A_314 = arith.constant 0 : i32
      %dma_wait3A_315 = tpu.memref_slice %arg6[%dma_wait3A_303, %dma_wait3A_313, %dma_wait3A_314] : memref<8x128x64xf32, #tpu.memory_space<vmem>> -> memref<1x128x64xf32, #tpu.memory_space<vmem>>
      %dma_wait3A_316 = tpu.memref_squeeze %dma_wait3A_315 : memref<1x128x64xf32, #tpu.memory_space<vmem>> -> memref<128x64xf32, #tpu.memory_space<vmem>>
      %dma_wait3A_317 = arith.constant 0 : i32
      %dma_wait3A_318 = tpu.memref_slice %arg4[%mul3A_2, %dma_wait3A_317] : memref<819200x64xf32, #tpu.memory_space<hbm>> -> memref<128x64xf32, #tpu.memory_space<hbm>>
      tpu.wait_dma2 semaphore(%dma_wait3A_312 : memref<!tpu.dma_semaphore, #tpu.memory_space<semaphore_mem>>) src(%dma_wait3A_318 : memref<128x64xf32, #tpu.memory_space<hbm>>) dst(%dma_wait3A_316 : memref<128x64xf32, #tpu.memory_space<vmem>>)
      %mul3A_319 = arith.constant 128 : i32
      %mul3A_320 = arith.muli %add3A_302, %mul3A_319 : i32
      %add3A_321 = arith.addi %mul3A_2, %mul3A_320 : i32
      %dma_start3A_322 = arith.constant 2 : i32
      %dma_start3A_323 = arith.constant 2 : i32
      %dma_start3A_324 = arith.constant 0 : i32
      %dma_start3A_325 = arith.constant 0 : i32
      %dma_start3A_326 = tpu.memref_slice %arg6[%dma_start3A_322, %dma_start3A_324, %dma_start3A_325] : memref<8x128x64xf32, #tpu.memory_space<vmem>> -> memref<1x128x64xf32, #tpu.memory_space<vmem>>
      %dma_start3A_327 = tpu.memref_squeeze %dma_start3A_326 : memref<1x128x64xf32, #tpu.memory_space<vmem>> -> memref<128x64xf32, #tpu.memory_space<vmem>>
      %dma_start3A_328 = arith.constant 0 : i32
      %dma_start3A_329 = tpu.memref_slice %arg4[%add3A_321, %dma_start3A_328] : memref<819200x64xf32, #tpu.memory_space<hbm>> -> memref<128x64xf32, #tpu.memory_space<hbm>>
      %dma_start3A_330 = tpu.memref_slice %arg8[%dma_start3A_323] : memref<8x!tpu.dma_semaphore, #tpu.memory_space<semaphore_mem>> -> memref<1x!tpu.dma_semaphore, #tpu.memory_space<semaphore_mem>>
      %dma_start3A_331 = tpu.memref_squeeze %dma_start3A_330 : memref<1x!tpu.dma_semaphore, #tpu.memory_space<semaphore_mem>> -> memref<!tpu.dma_semaphore, #tpu.memory_space<semaphore_mem>>
      %dma_start3A_332 = arith.constant 0 : i32
      %dma_start3A_333 = tpu.memref_slice %arg4[%add3A_321, %dma_start3A_332] : memref<819200x64xf32, #tpu.memory_space<hbm>> -> memref<128x64xf32, #tpu.memory_space<hbm>>
      %dma_start3A_334 = arith.constant 0 : i32
      %dma_start3A_335 = arith.constant 0 : i32
      %dma_start3A_336 = tpu.memref_slice %arg6[%dma_start3A_322, %dma_start3A_334, %dma_start3A_335] : memref<8x128x64xf32, #tpu.memory_space<vmem>> -> memref<1x128x64xf32, #tpu.memory_space<vmem>>
      %dma_start3A_337 = tpu.memref_squeeze %dma_start3A_336 : memref<1x128x64xf32, #tpu.memory_space<vmem>> -> memref<128x64xf32, #tpu.memory_space<vmem>>
      tpu.enqueue_dma source(%dma_start3A_337 : memref<128x64xf32, #tpu.memory_space<vmem>>) target(%dma_start3A_333 : memref<128x64xf32, #tpu.memory_space<hbm>>) target_semaphore(%dma_start3A_331 : memref<!tpu.dma_semaphore, #tpu.memory_space<semaphore_mem>>)
      %add3A_338 = arith.constant 6 : i32
      %add3A_339 = arith.addi %add3A_302, %add3A_338 : i32
      %lt3A_340 = arith.constant 200 : i32
      %lt3A_341 = arith.cmpi slt, %add3A_339, %lt3A_340 : i32
      %convert_element_type3A_342 = arith.extui %lt3A_341 : i1 to i32
      %cond3A_343 = arith.constant 0 : i32
      %cond3A_344 = arith.cmpi ne, %convert_element_type3A_342, %cond3A_343 : i32
      scf.if %cond3A_344 {
        %ge3A = arith.constant 8 : i32
        %ge3A_565 = arith.cmpi sge, %add3A_339, %ge3A : i32
        %convert_element_type3A_566 = arith.extui %ge3A_565 : i1 to i32
        %cond3A_567 = arith.constant 0 : i32
        %cond3A_568 = arith.cmpi ne, %convert_element_type3A_566, %cond3A_567 : i32
        scf.if %cond3A_568 {
          %dma_wait3A_583 = arith.constant 0 : i32
          %dma_wait3A_584 = arith.constant 0 : i32
          %dma_wait3A_585 = arith.constant 0 : i32
          %dma_wait3A_586 = arith.constant 0 : i32
          %dma_wait3A_587 = tpu.memref_slice %arg6[%dma_wait3A_583, %dma_wait3A_585, %dma_wait3A_586] : memref<8x128x64xf32, #tpu.memory_space<vmem>> -> memref<1x128x64xf32, #tpu.memory_space<vmem>>
          %dma_wait3A_588 = tpu.memref_squeeze %dma_wait3A_587 : memref<1x128x64xf32, #tpu.memory_space<vmem>> -> memref<128x64xf32, #tpu.memory_space<vmem>>
          %dma_wait3A_589 = arith.constant 0 : i32
          %dma_wait3A_590 = tpu.memref_slice %arg4[%mul3A_2, %dma_wait3A_589] : memref<819200x64xf32, #tpu.memory_space<hbm>> -> memref<128x64xf32, #tpu.memory_space<hbm>>
          %dma_wait3A_591 = tpu.memref_slice %arg8[%dma_wait3A_584] : memref<8x!tpu.dma_semaphore, #tpu.memory_space<semaphore_mem>> -> memref<1x!tpu.dma_semaphore, #tpu.memory_space<semaphore_mem>>
          %dma_wait3A_592 = tpu.memref_squeeze %dma_wait3A_591 : memref<1x!tpu.dma_semaphore, #tpu.memory_space<semaphore_mem>> -> memref<!tpu.dma_semaphore, #tpu.memory_space<semaphore_mem>>
          %dma_wait3A_593 = arith.constant 0 : i32
          %dma_wait3A_594 = arith.constant 0 : i32
          %dma_wait3A_595 = tpu.memref_slice %arg6[%dma_wait3A_583, %dma_wait3A_593, %dma_wait3A_594] : memref<8x128x64xf32, #tpu.memory_space<vmem>> -> memref<1x128x64xf32, #tpu.memory_space<vmem>>
          %dma_wait3A_596 = tpu.memref_squeeze %dma_wait3A_595 : memref<1x128x64xf32, #tpu.memory_space<vmem>> -> memref<128x64xf32, #tpu.memory_space<vmem>>
          %dma_wait3A_597 = arith.constant 0 : i32
          %dma_wait3A_598 = tpu.memref_slice %arg4[%mul3A_2, %dma_wait3A_597] : memref<819200x64xf32, #tpu.memory_space<hbm>> -> memref<128x64xf32, #tpu.memory_space<hbm>>
          tpu.wait_dma2 semaphore(%dma_wait3A_592 : memref<!tpu.dma_semaphore, #tpu.memory_space<semaphore_mem>>) src(%dma_wait3A_598 : memref<128x64xf32, #tpu.memory_space<hbm>>) dst(%dma_wait3A_596 : memref<128x64xf32, #tpu.memory_space<vmem>>)
        } else {
        }
        %mul3A_569 = arith.constant 128 : i32
        %mul3A_570 = arith.muli %add3A_339, %mul3A_569 : i32
        %dma_start3A_571 = arith.constant 0 : i32
        %dma_start3A_572 = arith.constant 0 : i32
        %dma_start3A_573 = arith.constant 0 : i32
        %dma_start3A_574 = arith.constant 0 : i32
        %dma_start3A_575 = tpu.memref_slice %arg6[%dma_start3A_571, %dma_start3A_573, %dma_start3A_574] : memref<8x128x64xf32, #tpu.memory_space<vmem>> -> memref<1x128x64xf32, #tpu.memory_space<vmem>>
        %dma_start3A_576 = tpu.memref_squeeze %dma_start3A_575 : memref<1x128x64xf32, #tpu.memory_space<vmem>> -> memref<128x64xf32, #tpu.memory_space<vmem>>
        %dma_start3A_577 = tpu.memref_slice %arg5[%mul3A_570] : memref<25600xi32, #tpu.memory_space<vmem>> -> memref<128xi32, #tpu.memory_space<vmem>>
        %dma_start3A_578 = arith.constant 0 : i32
        %dma_start3A_579 = arith.constant 0 : i32
        %dma_start3A_580 = tpu.memref_slice %arg3[%dma_start3A_578, %dma_start3A_579] : memref<1000000x64xf32, #tpu.memory_space<hbm>> -> memref<1000000x64xf32, #tpu.memory_space<hbm>>
        %dma_start3A_581 = tpu.memref_slice %arg7[%dma_start3A_572] : memref<8x!tpu.dma_semaphore, #tpu.memory_space<semaphore_mem>> -> memref<1x!tpu.dma_semaphore, #tpu.memory_space<semaphore_mem>>
        %dma_start3A_582 = tpu.memref_squeeze %dma_start3A_581 : memref<1x!tpu.dma_semaphore, #tpu.memory_space<semaphore_mem>> -> memref<!tpu.dma_semaphore, #tpu.memory_space<semaphore_mem>>
        tpu.enqueue_indirect_dma source(%dma_start3A_580 : memref<1000000x64xf32, #tpu.memory_space<hbm>>) target(%dma_start3A_576 : memref<128x64xf32, #tpu.memory_space<vmem>>) offsets(%dma_start3A_577 : memref<128xi32, #tpu.memory_space<vmem>>) semaphore(%dma_start3A_582 : memref<!tpu.dma_semaphore, #tpu.memory_space<semaphore_mem>>)
      } else {
      }
      %add3A_345 = arith.constant 3 : i32
      %add3A_346 = arith.addi %add3A_215, %add3A_345 : i32
      %dma_wait3A_347 = arith.constant 3 : i32
      %dma_wait3A_348 = arith.constant 3 : i32
      %dma_wait3A_349 = arith.constant 0 : i32
      %dma_wait3A_350 = arith.constant 0 : i32
      %dma_wait3A_351 = tpu.memref_slice %arg6[%dma_wait3A_347, %dma_wait3A_349, %dma_wait3A_350] : memref<8x128x64xf32, #tpu.memory_space<vmem>> -> memref<1x128x64xf32, #tpu.memory_space<vmem>>
      %dma_wait3A_352 = tpu.memref_squeeze %dma_wait3A_351 : memref<1x128x64xf32, #tpu.memory_space<vmem>> -> memref<128x64xf32, #tpu.memory_space<vmem>>
      %dma_wait3A_353 = arith.constant 0 : i32
      %dma_wait3A_354 = tpu.memref_slice %arg4[%mul3A_2, %dma_wait3A_353] : memref<819200x64xf32, #tpu.memory_space<hbm>> -> memref<128x64xf32, #tpu.memory_space<hbm>>
      %dma_wait3A_355 = tpu.memref_slice %arg7[%dma_wait3A_348] : memref<8x!tpu.dma_semaphore, #tpu.memory_space<semaphore_mem>> -> memref<1x!tpu.dma_semaphore, #tpu.memory_space<semaphore_mem>>
      %dma_wait3A_356 = tpu.memref_squeeze %dma_wait3A_355 : memref<1x!tpu.dma_semaphore, #tpu.memory_space<semaphore_mem>> -> memref<!tpu.dma_semaphore, #tpu.memory_space<semaphore_mem>>
      %dma_wait3A_357 = arith.constant 0 : i32
      %dma_wait3A_358 = arith.constant 0 : i32
      %dma_wait3A_359 = tpu.memref_slice %arg6[%dma_wait3A_347, %dma_wait3A_357, %dma_wait3A_358] : memref<8x128x64xf32, #tpu.memory_space<vmem>> -> memref<1x128x64xf32, #tpu.memory_space<vmem>>
      %dma_wait3A_360 = tpu.memref_squeeze %dma_wait3A_359 : memref<1x128x64xf32, #tpu.memory_space<vmem>> -> memref<128x64xf32, #tpu.memory_space<vmem>>
      %dma_wait3A_361 = arith.constant 0 : i32
      %dma_wait3A_362 = tpu.memref_slice %arg4[%mul3A_2, %dma_wait3A_361] : memref<819200x64xf32, #tpu.memory_space<hbm>> -> memref<128x64xf32, #tpu.memory_space<hbm>>
      tpu.wait_dma2 semaphore(%dma_wait3A_356 : memref<!tpu.dma_semaphore, #tpu.memory_space<semaphore_mem>>) src(%dma_wait3A_362 : memref<128x64xf32, #tpu.memory_space<hbm>>) dst(%dma_wait3A_360 : memref<128x64xf32, #tpu.memory_space<vmem>>)
      %mul3A_363 = arith.constant 128 : i32
      %mul3A_364 = arith.muli %add3A_346, %mul3A_363 : i32
      %add3A_365 = arith.addi %mul3A_2, %mul3A_364 : i32
      %dma_start3A_366 = arith.constant 3 : i32
      %dma_start3A_367 = arith.constant 3 : i32
      %dma_start3A_368 = arith.constant 0 : i32
      %dma_start3A_369 = arith.constant 0 : i32
      %dma_start3A_370 = tpu.memref_slice %arg6[%dma_start3A_366, %dma_start3A_368, %dma_start3A_369] : memref<8x128x64xf32, #tpu.memory_space<vmem>> -> memref<1x128x64xf32, #tpu.memory_space<vmem>>
      %dma_start3A_371 = tpu.memref_squeeze %dma_start3A_370 : memref<1x128x64xf32, #tpu.memory_space<vmem>> -> memref<128x64xf32, #tpu.memory_space<vmem>>
      %dma_start3A_372 = arith.constant 0 : i32
      %dma_start3A_373 = tpu.memref_slice %arg4[%add3A_365, %dma_start3A_372] : memref<819200x64xf32, #tpu.memory_space<hbm>> -> memref<128x64xf32, #tpu.memory_space<hbm>>
      %dma_start3A_374 = tpu.memref_slice %arg8[%dma_start3A_367] : memref<8x!tpu.dma_semaphore, #tpu.memory_space<semaphore_mem>> -> memref<1x!tpu.dma_semaphore, #tpu.memory_space<semaphore_mem>>
      %dma_start3A_375 = tpu.memref_squeeze %dma_start3A_374 : memref<1x!tpu.dma_semaphore, #tpu.memory_space<semaphore_mem>> -> memref<!tpu.dma_semaphore, #tpu.memory_space<semaphore_mem>>
      %dma_start3A_376 = arith.constant 0 : i32
      %dma_start3A_377 = tpu.memref_slice %arg4[%add3A_365, %dma_start3A_376] : memref<819200x64xf32, #tpu.memory_space<hbm>> -> memref<128x64xf32, #tpu.memory_space<hbm>>
      %dma_start3A_378 = arith.constant 0 : i32
      %dma_start3A_379 = arith.constant 0 : i32
      %dma_start3A_380 = tpu.memref_slice %arg6[%dma_start3A_366, %dma_start3A_378, %dma_start3A_379] : memref<8x128x64xf32, #tpu.memory_space<vmem>> -> memref<1x128x64xf32, #tpu.memory_space<vmem>>
      %dma_start3A_381 = tpu.memref_squeeze %dma_start3A_380 : memref<1x128x64xf32, #tpu.memory_space<vmem>> -> memref<128x64xf32, #tpu.memory_space<vmem>>
      tpu.enqueue_dma source(%dma_start3A_381 : memref<128x64xf32, #tpu.memory_space<vmem>>) target(%dma_start3A_377 : memref<128x64xf32, #tpu.memory_space<hbm>>) target_semaphore(%dma_start3A_375 : memref<!tpu.dma_semaphore, #tpu.memory_space<semaphore_mem>>)
      %add3A_382 = arith.constant 6 : i32
      %add3A_383 = arith.addi %add3A_346, %add3A_382 : i32
      %lt3A_384 = arith.constant 200 : i32
      %lt3A_385 = arith.cmpi slt, %add3A_383, %lt3A_384 : i32
      %convert_element_type3A_386 = arith.extui %lt3A_385 : i1 to i32
      %cond3A_387 = arith.constant 0 : i32
      %cond3A_388 = arith.cmpi ne, %convert_element_type3A_386, %cond3A_387 : i32
      scf.if %cond3A_388 {
        %ge3A = arith.constant 8 : i32
        %ge3A_565 = arith.cmpi sge, %add3A_383, %ge3A : i32
        %convert_element_type3A_566 = arith.extui %ge3A_565 : i1 to i32
        %cond3A_567 = arith.constant 0 : i32
        %cond3A_568 = arith.cmpi ne, %convert_element_type3A_566, %cond3A_567 : i32
        scf.if %cond3A_568 {
          %dma_wait3A_583 = arith.constant 1 : i32
          %dma_wait3A_584 = arith.constant 1 : i32
          %dma_wait3A_585 = arith.constant 0 : i32
          %dma_wait3A_586 = arith.constant 0 : i32
          %dma_wait3A_587 = tpu.memref_slice %arg6[%dma_wait3A_583, %dma_wait3A_585, %dma_wait3A_586] : memref<8x128x64xf32, #tpu.memory_space<vmem>> -> memref<1x128x64xf32, #tpu.memory_space<vmem>>
          %dma_wait3A_588 = tpu.memref_squeeze %dma_wait3A_587 : memref<1x128x64xf32, #tpu.memory_space<vmem>> -> memref<128x64xf32, #tpu.memory_space<vmem>>
          %dma_wait3A_589 = arith.constant 0 : i32
          %dma_wait3A_590 = tpu.memref_slice %arg4[%mul3A_2, %dma_wait3A_589] : memref<819200x64xf32, #tpu.memory_space<hbm>> -> memref<128x64xf32, #tpu.memory_space<hbm>>
          %dma_wait3A_591 = tpu.memref_slice %arg8[%dma_wait3A_584] : memref<8x!tpu.dma_semaphore, #tpu.memory_space<semaphore_mem>> -> memref<1x!tpu.dma_semaphore, #tpu.memory_space<semaphore_mem>>
          %dma_wait3A_592 = tpu.memref_squeeze %dma_wait3A_591 : memref<1x!tpu.dma_semaphore, #tpu.memory_space<semaphore_mem>> -> memref<!tpu.dma_semaphore, #tpu.memory_space<semaphore_mem>>
          %dma_wait3A_593 = arith.constant 0 : i32
          %dma_wait3A_594 = arith.constant 0 : i32
          %dma_wait3A_595 = tpu.memref_slice %arg6[%dma_wait3A_583, %dma_wait3A_593, %dma_wait3A_594] : memref<8x128x64xf32, #tpu.memory_space<vmem>> -> memref<1x128x64xf32, #tpu.memory_space<vmem>>
          %dma_wait3A_596 = tpu.memref_squeeze %dma_wait3A_595 : memref<1x128x64xf32, #tpu.memory_space<vmem>> -> memref<128x64xf32, #tpu.memory_space<vmem>>
          %dma_wait3A_597 = arith.constant 0 : i32
          %dma_wait3A_598 = tpu.memref_slice %arg4[%mul3A_2, %dma_wait3A_597] : memref<819200x64xf32, #tpu.memory_space<hbm>> -> memref<128x64xf32, #tpu.memory_space<hbm>>
          tpu.wait_dma2 semaphore(%dma_wait3A_592 : memref<!tpu.dma_semaphore, #tpu.memory_space<semaphore_mem>>) src(%dma_wait3A_598 : memref<128x64xf32, #tpu.memory_space<hbm>>) dst(%dma_wait3A_596 : memref<128x64xf32, #tpu.memory_space<vmem>>)
        } else {
        }
        %mul3A_569 = arith.constant 128 : i32
        %mul3A_570 = arith.muli %add3A_383, %mul3A_569 : i32
        %dma_start3A_571 = arith.constant 1 : i32
        %dma_start3A_572 = arith.constant 1 : i32
        %dma_start3A_573 = arith.constant 0 : i32
        %dma_start3A_574 = arith.constant 0 : i32
        %dma_start3A_575 = tpu.memref_slice %arg6[%dma_start3A_571, %dma_start3A_573, %dma_start3A_574] : memref<8x128x64xf32, #tpu.memory_space<vmem>> -> memref<1x128x64xf32, #tpu.memory_space<vmem>>
        %dma_start3A_576 = tpu.memref_squeeze %dma_start3A_575 : memref<1x128x64xf32, #tpu.memory_space<vmem>> -> memref<128x64xf32, #tpu.memory_space<vmem>>
        %dma_start3A_577 = tpu.memref_slice %arg5[%mul3A_570] : memref<25600xi32, #tpu.memory_space<vmem>> -> memref<128xi32, #tpu.memory_space<vmem>>
        %dma_start3A_578 = arith.constant 0 : i32
        %dma_start3A_579 = arith.constant 0 : i32
        %dma_start3A_580 = tpu.memref_slice %arg3[%dma_start3A_578, %dma_start3A_579] : memref<1000000x64xf32, #tpu.memory_space<hbm>> -> memref<1000000x64xf32, #tpu.memory_space<hbm>>
        %dma_start3A_581 = tpu.memref_slice %arg7[%dma_start3A_572] : memref<8x!tpu.dma_semaphore, #tpu.memory_space<semaphore_mem>> -> memref<1x!tpu.dma_semaphore, #tpu.memory_space<semaphore_mem>>
        %dma_start3A_582 = tpu.memref_squeeze %dma_start3A_581 : memref<1x!tpu.dma_semaphore, #tpu.memory_space<semaphore_mem>> -> memref<!tpu.dma_semaphore, #tpu.memory_space<semaphore_mem>>
        tpu.enqueue_indirect_dma source(%dma_start3A_580 : memref<1000000x64xf32, #tpu.memory_space<hbm>>) target(%dma_start3A_576 : memref<128x64xf32, #tpu.memory_space<vmem>>) offsets(%dma_start3A_577 : memref<128xi32, #tpu.memory_space<vmem>>) semaphore(%dma_start3A_582 : memref<!tpu.dma_semaphore, #tpu.memory_space<semaphore_mem>>)
      } else {
      }
      %add3A_389 = arith.constant 4 : i32
      %add3A_390 = arith.addi %add3A_215, %add3A_389 : i32
      %dma_wait3A_391 = arith.constant 4 : i32
      %dma_wait3A_392 = arith.constant 4 : i32
      %dma_wait3A_393 = arith.constant 0 : i32
      %dma_wait3A_394 = arith.constant 0 : i32
      %dma_wait3A_395 = tpu.memref_slice %arg6[%dma_wait3A_391, %dma_wait3A_393, %dma_wait3A_394] : memref<8x128x64xf32, #tpu.memory_space<vmem>> -> memref<1x128x64xf32, #tpu.memory_space<vmem>>
      %dma_wait3A_396 = tpu.memref_squeeze %dma_wait3A_395 : memref<1x128x64xf32, #tpu.memory_space<vmem>> -> memref<128x64xf32, #tpu.memory_space<vmem>>
      %dma_wait3A_397 = arith.constant 0 : i32
      %dma_wait3A_398 = tpu.memref_slice %arg4[%mul3A_2, %dma_wait3A_397] : memref<819200x64xf32, #tpu.memory_space<hbm>> -> memref<128x64xf32, #tpu.memory_space<hbm>>
      %dma_wait3A_399 = tpu.memref_slice %arg7[%dma_wait3A_392] : memref<8x!tpu.dma_semaphore, #tpu.memory_space<semaphore_mem>> -> memref<1x!tpu.dma_semaphore, #tpu.memory_space<semaphore_mem>>
      %dma_wait3A_400 = tpu.memref_squeeze %dma_wait3A_399 : memref<1x!tpu.dma_semaphore, #tpu.memory_space<semaphore_mem>> -> memref<!tpu.dma_semaphore, #tpu.memory_space<semaphore_mem>>
      %dma_wait3A_401 = arith.constant 0 : i32
      %dma_wait3A_402 = arith.constant 0 : i32
      %dma_wait3A_403 = tpu.memref_slice %arg6[%dma_wait3A_391, %dma_wait3A_401, %dma_wait3A_402] : memref<8x128x64xf32, #tpu.memory_space<vmem>> -> memref<1x128x64xf32, #tpu.memory_space<vmem>>
      %dma_wait3A_404 = tpu.memref_squeeze %dma_wait3A_403 : memref<1x128x64xf32, #tpu.memory_space<vmem>> -> memref<128x64xf32, #tpu.memory_space<vmem>>
      %dma_wait3A_405 = arith.constant 0 : i32
      %dma_wait3A_406 = tpu.memref_slice %arg4[%mul3A_2, %dma_wait3A_405] : memref<819200x64xf32, #tpu.memory_space<hbm>> -> memref<128x64xf32, #tpu.memory_space<hbm>>
      tpu.wait_dma2 semaphore(%dma_wait3A_400 : memref<!tpu.dma_semaphore, #tpu.memory_space<semaphore_mem>>) src(%dma_wait3A_406 : memref<128x64xf32, #tpu.memory_space<hbm>>) dst(%dma_wait3A_404 : memref<128x64xf32, #tpu.memory_space<vmem>>)
      %mul3A_407 = arith.constant 128 : i32
      %mul3A_408 = arith.muli %add3A_390, %mul3A_407 : i32
      %add3A_409 = arith.addi %mul3A_2, %mul3A_408 : i32
      %dma_start3A_410 = arith.constant 4 : i32
      %dma_start3A_411 = arith.constant 4 : i32
      %dma_start3A_412 = arith.constant 0 : i32
      %dma_start3A_413 = arith.constant 0 : i32
      %dma_start3A_414 = tpu.memref_slice %arg6[%dma_start3A_410, %dma_start3A_412, %dma_start3A_413] : memref<8x128x64xf32, #tpu.memory_space<vmem>> -> memref<1x128x64xf32, #tpu.memory_space<vmem>>
      %dma_start3A_415 = tpu.memref_squeeze %dma_start3A_414 : memref<1x128x64xf32, #tpu.memory_space<vmem>> -> memref<128x64xf32, #tpu.memory_space<vmem>>
      %dma_start3A_416 = arith.constant 0 : i32
      %dma_start3A_417 = tpu.memref_slice %arg4[%add3A_409, %dma_start3A_416] : memref<819200x64xf32, #tpu.memory_space<hbm>> -> memref<128x64xf32, #tpu.memory_space<hbm>>
      %dma_start3A_418 = tpu.memref_slice %arg8[%dma_start3A_411] : memref<8x!tpu.dma_semaphore, #tpu.memory_space<semaphore_mem>> -> memref<1x!tpu.dma_semaphore, #tpu.memory_space<semaphore_mem>>
      %dma_start3A_419 = tpu.memref_squeeze %dma_start3A_418 : memref<1x!tpu.dma_semaphore, #tpu.memory_space<semaphore_mem>> -> memref<!tpu.dma_semaphore, #tpu.memory_space<semaphore_mem>>
      %dma_start3A_420 = arith.constant 0 : i32
      %dma_start3A_421 = tpu.memref_slice %arg4[%add3A_409, %dma_start3A_420] : memref<819200x64xf32, #tpu.memory_space<hbm>> -> memref<128x64xf32, #tpu.memory_space<hbm>>
      %dma_start3A_422 = arith.constant 0 : i32
      %dma_start3A_423 = arith.constant 0 : i32
      %dma_start3A_424 = tpu.memref_slice %arg6[%dma_start3A_410, %dma_start3A_422, %dma_start3A_423] : memref<8x128x64xf32, #tpu.memory_space<vmem>> -> memref<1x128x64xf32, #tpu.memory_space<vmem>>
      %dma_start3A_425 = tpu.memref_squeeze %dma_start3A_424 : memref<1x128x64xf32, #tpu.memory_space<vmem>> -> memref<128x64xf32, #tpu.memory_space<vmem>>
      tpu.enqueue_dma source(%dma_start3A_425 : memref<128x64xf32, #tpu.memory_space<vmem>>) target(%dma_start3A_421 : memref<128x64xf32, #tpu.memory_space<hbm>>) target_semaphore(%dma_start3A_419 : memref<!tpu.dma_semaphore, #tpu.memory_space<semaphore_mem>>)
      %add3A_426 = arith.constant 6 : i32
      %add3A_427 = arith.addi %add3A_390, %add3A_426 : i32
      %lt3A_428 = arith.constant 200 : i32
      %lt3A_429 = arith.cmpi slt, %add3A_427, %lt3A_428 : i32
      %convert_element_type3A_430 = arith.extui %lt3A_429 : i1 to i32
      %cond3A_431 = arith.constant 0 : i32
      %cond3A_432 = arith.cmpi ne, %convert_element_type3A_430, %cond3A_431 : i32
      scf.if %cond3A_432 {
        %ge3A = arith.constant 8 : i32
        %ge3A_565 = arith.cmpi sge, %add3A_427, %ge3A : i32
        %convert_element_type3A_566 = arith.extui %ge3A_565 : i1 to i32
        %cond3A_567 = arith.constant 0 : i32
        %cond3A_568 = arith.cmpi ne, %convert_element_type3A_566, %cond3A_567 : i32
        scf.if %cond3A_568 {
          %dma_wait3A_583 = arith.constant 2 : i32
          %dma_wait3A_584 = arith.constant 2 : i32
          %dma_wait3A_585 = arith.constant 0 : i32
          %dma_wait3A_586 = arith.constant 0 : i32
          %dma_wait3A_587 = tpu.memref_slice %arg6[%dma_wait3A_583, %dma_wait3A_585, %dma_wait3A_586] : memref<8x128x64xf32, #tpu.memory_space<vmem>> -> memref<1x128x64xf32, #tpu.memory_space<vmem>>
          %dma_wait3A_588 = tpu.memref_squeeze %dma_wait3A_587 : memref<1x128x64xf32, #tpu.memory_space<vmem>> -> memref<128x64xf32, #tpu.memory_space<vmem>>
          %dma_wait3A_589 = arith.constant 0 : i32
          %dma_wait3A_590 = tpu.memref_slice %arg4[%mul3A_2, %dma_wait3A_589] : memref<819200x64xf32, #tpu.memory_space<hbm>> -> memref<128x64xf32, #tpu.memory_space<hbm>>
          %dma_wait3A_591 = tpu.memref_slice %arg8[%dma_wait3A_584] : memref<8x!tpu.dma_semaphore, #tpu.memory_space<semaphore_mem>> -> memref<1x!tpu.dma_semaphore, #tpu.memory_space<semaphore_mem>>
          %dma_wait3A_592 = tpu.memref_squeeze %dma_wait3A_591 : memref<1x!tpu.dma_semaphore, #tpu.memory_space<semaphore_mem>> -> memref<!tpu.dma_semaphore, #tpu.memory_space<semaphore_mem>>
          %dma_wait3A_593 = arith.constant 0 : i32
          %dma_wait3A_594 = arith.constant 0 : i32
          %dma_wait3A_595 = tpu.memref_slice %arg6[%dma_wait3A_583, %dma_wait3A_593, %dma_wait3A_594] : memref<8x128x64xf32, #tpu.memory_space<vmem>> -> memref<1x128x64xf32, #tpu.memory_space<vmem>>
          %dma_wait3A_596 = tpu.memref_squeeze %dma_wait3A_595 : memref<1x128x64xf32, #tpu.memory_space<vmem>> -> memref<128x64xf32, #tpu.memory_space<vmem>>
          %dma_wait3A_597 = arith.constant 0 : i32
          %dma_wait3A_598 = tpu.memref_slice %arg4[%mul3A_2, %dma_wait3A_597] : memref<819200x64xf32, #tpu.memory_space<hbm>> -> memref<128x64xf32, #tpu.memory_space<hbm>>
          tpu.wait_dma2 semaphore(%dma_wait3A_592 : memref<!tpu.dma_semaphore, #tpu.memory_space<semaphore_mem>>) src(%dma_wait3A_598 : memref<128x64xf32, #tpu.memory_space<hbm>>) dst(%dma_wait3A_596 : memref<128x64xf32, #tpu.memory_space<vmem>>)
        } else {
        }
        %mul3A_569 = arith.constant 128 : i32
        %mul3A_570 = arith.muli %add3A_427, %mul3A_569 : i32
        %dma_start3A_571 = arith.constant 2 : i32
        %dma_start3A_572 = arith.constant 2 : i32
        %dma_start3A_573 = arith.constant 0 : i32
        %dma_start3A_574 = arith.constant 0 : i32
        %dma_start3A_575 = tpu.memref_slice %arg6[%dma_start3A_571, %dma_start3A_573, %dma_start3A_574] : memref<8x128x64xf32, #tpu.memory_space<vmem>> -> memref<1x128x64xf32, #tpu.memory_space<vmem>>
        %dma_start3A_576 = tpu.memref_squeeze %dma_start3A_575 : memref<1x128x64xf32, #tpu.memory_space<vmem>> -> memref<128x64xf32, #tpu.memory_space<vmem>>
        %dma_start3A_577 = tpu.memref_slice %arg5[%mul3A_570] : memref<25600xi32, #tpu.memory_space<vmem>> -> memref<128xi32, #tpu.memory_space<vmem>>
        %dma_start3A_578 = arith.constant 0 : i32
        %dma_start3A_579 = arith.constant 0 : i32
        %dma_start3A_580 = tpu.memref_slice %arg3[%dma_start3A_578, %dma_start3A_579] : memref<1000000x64xf32, #tpu.memory_space<hbm>> -> memref<1000000x64xf32, #tpu.memory_space<hbm>>
        %dma_start3A_581 = tpu.memref_slice %arg7[%dma_start3A_572] : memref<8x!tpu.dma_semaphore, #tpu.memory_space<semaphore_mem>> -> memref<1x!tpu.dma_semaphore, #tpu.memory_space<semaphore_mem>>
        %dma_start3A_582 = tpu.memref_squeeze %dma_start3A_581 : memref<1x!tpu.dma_semaphore, #tpu.memory_space<semaphore_mem>> -> memref<!tpu.dma_semaphore, #tpu.memory_space<semaphore_mem>>
        tpu.enqueue_indirect_dma source(%dma_start3A_580 : memref<1000000x64xf32, #tpu.memory_space<hbm>>) target(%dma_start3A_576 : memref<128x64xf32, #tpu.memory_space<vmem>>) offsets(%dma_start3A_577 : memref<128xi32, #tpu.memory_space<vmem>>) semaphore(%dma_start3A_582 : memref<!tpu.dma_semaphore, #tpu.memory_space<semaphore_mem>>)
      } else {
      }
      %add3A_433 = arith.constant 5 : i32
      %add3A_434 = arith.addi %add3A_215, %add3A_433 : i32
      %dma_wait3A_435 = arith.constant 5 : i32
      %dma_wait3A_436 = arith.constant 5 : i32
      %dma_wait3A_437 = arith.constant 0 : i32
      %dma_wait3A_438 = arith.constant 0 : i32
      %dma_wait3A_439 = tpu.memref_slice %arg6[%dma_wait3A_435, %dma_wait3A_437, %dma_wait3A_438] : memref<8x128x64xf32, #tpu.memory_space<vmem>> -> memref<1x128x64xf32, #tpu.memory_space<vmem>>
      %dma_wait3A_440 = tpu.memref_squeeze %dma_wait3A_439 : memref<1x128x64xf32, #tpu.memory_space<vmem>> -> memref<128x64xf32, #tpu.memory_space<vmem>>
      %dma_wait3A_441 = arith.constant 0 : i32
      %dma_wait3A_442 = tpu.memref_slice %arg4[%mul3A_2, %dma_wait3A_441] : memref<819200x64xf32, #tpu.memory_space<hbm>> -> memref<128x64xf32, #tpu.memory_space<hbm>>
      %dma_wait3A_443 = tpu.memref_slice %arg7[%dma_wait3A_436] : memref<8x!tpu.dma_semaphore, #tpu.memory_space<semaphore_mem>> -> memref<1x!tpu.dma_semaphore, #tpu.memory_space<semaphore_mem>>
      %dma_wait3A_444 = tpu.memref_squeeze %dma_wait3A_443 : memref<1x!tpu.dma_semaphore, #tpu.memory_space<semaphore_mem>> -> memref<!tpu.dma_semaphore, #tpu.memory_space<semaphore_mem>>
      %dma_wait3A_445 = arith.constant 0 : i32
      %dma_wait3A_446 = arith.constant 0 : i32
      %dma_wait3A_447 = tpu.memref_slice %arg6[%dma_wait3A_435, %dma_wait3A_445, %dma_wait3A_446] : memref<8x128x64xf32, #tpu.memory_space<vmem>> -> memref<1x128x64xf32, #tpu.memory_space<vmem>>
      %dma_wait3A_448 = tpu.memref_squeeze %dma_wait3A_447 : memref<1x128x64xf32, #tpu.memory_space<vmem>> -> memref<128x64xf32, #tpu.memory_space<vmem>>
      %dma_wait3A_449 = arith.constant 0 : i32
      %dma_wait3A_450 = tpu.memref_slice %arg4[%mul3A_2, %dma_wait3A_449] : memref<819200x64xf32, #tpu.memory_space<hbm>> -> memref<128x64xf32, #tpu.memory_space<hbm>>
      tpu.wait_dma2 semaphore(%dma_wait3A_444 : memref<!tpu.dma_semaphore, #tpu.memory_space<semaphore_mem>>) src(%dma_wait3A_450 : memref<128x64xf32, #tpu.memory_space<hbm>>) dst(%dma_wait3A_448 : memref<128x64xf32, #tpu.memory_space<vmem>>)
      %mul3A_451 = arith.constant 128 : i32
      %mul3A_452 = arith.muli %add3A_434, %mul3A_451 : i32
      %add3A_453 = arith.addi %mul3A_2, %mul3A_452 : i32
      %dma_start3A_454 = arith.constant 5 : i32
      %dma_start3A_455 = arith.constant 5 : i32
      %dma_start3A_456 = arith.constant 0 : i32
      %dma_start3A_457 = arith.constant 0 : i32
      %dma_start3A_458 = tpu.memref_slice %arg6[%dma_start3A_454, %dma_start3A_456, %dma_start3A_457] : memref<8x128x64xf32, #tpu.memory_space<vmem>> -> memref<1x128x64xf32, #tpu.memory_space<vmem>>
      %dma_start3A_459 = tpu.memref_squeeze %dma_start3A_458 : memref<1x128x64xf32, #tpu.memory_space<vmem>> -> memref<128x64xf32, #tpu.memory_space<vmem>>
      %dma_start3A_460 = arith.constant 0 : i32
      %dma_start3A_461 = tpu.memref_slice %arg4[%add3A_453, %dma_start3A_460] : memref<819200x64xf32, #tpu.memory_space<hbm>> -> memref<128x64xf32, #tpu.memory_space<hbm>>
      %dma_start3A_462 = tpu.memref_slice %arg8[%dma_start3A_455] : memref<8x!tpu.dma_semaphore, #tpu.memory_space<semaphore_mem>> -> memref<1x!tpu.dma_semaphore, #tpu.memory_space<semaphore_mem>>
      %dma_start3A_463 = tpu.memref_squeeze %dma_start3A_462 : memref<1x!tpu.dma_semaphore, #tpu.memory_space<semaphore_mem>> -> memref<!tpu.dma_semaphore, #tpu.memory_space<semaphore_mem>>
      %dma_start3A_464 = arith.constant 0 : i32
      %dma_start3A_465 = tpu.memref_slice %arg4[%add3A_453, %dma_start3A_464] : memref<819200x64xf32, #tpu.memory_space<hbm>> -> memref<128x64xf32, #tpu.memory_space<hbm>>
      %dma_start3A_466 = arith.constant 0 : i32
      %dma_start3A_467 = arith.constant 0 : i32
      %dma_start3A_468 = tpu.memref_slice %arg6[%dma_start3A_454, %dma_start3A_466, %dma_start3A_467] : memref<8x128x64xf32, #tpu.memory_space<vmem>> -> memref<1x128x64xf32, #tpu.memory_space<vmem>>
      %dma_start3A_469 = tpu.memref_squeeze %dma_start3A_468 : memref<1x128x64xf32, #tpu.memory_space<vmem>> -> memref<128x64xf32, #tpu.memory_space<vmem>>
      tpu.enqueue_dma source(%dma_start3A_469 : memref<128x64xf32, #tpu.memory_space<vmem>>) target(%dma_start3A_465 : memref<128x64xf32, #tpu.memory_space<hbm>>) target_semaphore(%dma_start3A_463 : memref<!tpu.dma_semaphore, #tpu.memory_space<semaphore_mem>>)
      %add3A_470 = arith.constant 6 : i32
      %add3A_471 = arith.addi %add3A_434, %add3A_470 : i32
      %lt3A_472 = arith.constant 200 : i32
      %lt3A_473 = arith.cmpi slt, %add3A_471, %lt3A_472 : i32
      %convert_element_type3A_474 = arith.extui %lt3A_473 : i1 to i32
      %cond3A_475 = arith.constant 0 : i32
      %cond3A_476 = arith.cmpi ne, %convert_element_type3A_474, %cond3A_475 : i32
      scf.if %cond3A_476 {
        %ge3A = arith.constant 8 : i32
        %ge3A_565 = arith.cmpi sge, %add3A_471, %ge3A : i32
        %convert_element_type3A_566 = arith.extui %ge3A_565 : i1 to i32
        %cond3A_567 = arith.constant 0 : i32
        %cond3A_568 = arith.cmpi ne, %convert_element_type3A_566, %cond3A_567 : i32
        scf.if %cond3A_568 {
          %dma_wait3A_583 = arith.constant 3 : i32
          %dma_wait3A_584 = arith.constant 3 : i32
          %dma_wait3A_585 = arith.constant 0 : i32
          %dma_wait3A_586 = arith.constant 0 : i32
          %dma_wait3A_587 = tpu.memref_slice %arg6[%dma_wait3A_583, %dma_wait3A_585, %dma_wait3A_586] : memref<8x128x64xf32, #tpu.memory_space<vmem>> -> memref<1x128x64xf32, #tpu.memory_space<vmem>>
          %dma_wait3A_588 = tpu.memref_squeeze %dma_wait3A_587 : memref<1x128x64xf32, #tpu.memory_space<vmem>> -> memref<128x64xf32, #tpu.memory_space<vmem>>
          %dma_wait3A_589 = arith.constant 0 : i32
          %dma_wait3A_590 = tpu.memref_slice %arg4[%mul3A_2, %dma_wait3A_589] : memref<819200x64xf32, #tpu.memory_space<hbm>> -> memref<128x64xf32, #tpu.memory_space<hbm>>
          %dma_wait3A_591 = tpu.memref_slice %arg8[%dma_wait3A_584] : memref<8x!tpu.dma_semaphore, #tpu.memory_space<semaphore_mem>> -> memref<1x!tpu.dma_semaphore, #tpu.memory_space<semaphore_mem>>
          %dma_wait3A_592 = tpu.memref_squeeze %dma_wait3A_591 : memref<1x!tpu.dma_semaphore, #tpu.memory_space<semaphore_mem>> -> memref<!tpu.dma_semaphore, #tpu.memory_space<semaphore_mem>>
          %dma_wait3A_593 = arith.constant 0 : i32
          %dma_wait3A_594 = arith.constant 0 : i32
          %dma_wait3A_595 = tpu.memref_slice %arg6[%dma_wait3A_583, %dma_wait3A_593, %dma_wait3A_594] : memref<8x128x64xf32, #tpu.memory_space<vmem>> -> memref<1x128x64xf32, #tpu.memory_space<vmem>>
          %dma_wait3A_596 = tpu.memref_squeeze %dma_wait3A_595 : memref<1x128x64xf32, #tpu.memory_space<vmem>> -> memref<128x64xf32, #tpu.memory_space<vmem>>
          %dma_wait3A_597 = arith.constant 0 : i32
          %dma_wait3A_598 = tpu.memref_slice %arg4[%mul3A_2, %dma_wait3A_597] : memref<819200x64xf32, #tpu.memory_space<hbm>> -> memref<128x64xf32, #tpu.memory_space<hbm>>
          tpu.wait_dma2 semaphore(%dma_wait3A_592 : memref<!tpu.dma_semaphore, #tpu.memory_space<semaphore_mem>>) src(%dma_wait3A_598 : memref<128x64xf32, #tpu.memory_space<hbm>>) dst(%dma_wait3A_596 : memref<128x64xf32, #tpu.memory_space<vmem>>)
        } else {
        }
        %mul3A_569 = arith.constant 128 : i32
        %mul3A_570 = arith.muli %add3A_471, %mul3A_569 : i32
        %dma_start3A_571 = arith.constant 3 : i32
        %dma_start3A_572 = arith.constant 3 : i32
        %dma_start3A_573 = arith.constant 0 : i32
        %dma_start3A_574 = arith.constant 0 : i32
        %dma_start3A_575 = tpu.memref_slice %arg6[%dma_start3A_571, %dma_start3A_573, %dma_start3A_574] : memref<8x128x64xf32, #tpu.memory_space<vmem>> -> memref<1x128x64xf32, #tpu.memory_space<vmem>>
        %dma_start3A_576 = tpu.memref_squeeze %dma_start3A_575 : memref<1x128x64xf32, #tpu.memory_space<vmem>> -> memref<128x64xf32, #tpu.memory_space<vmem>>
        %dma_start3A_577 = tpu.memref_slice %arg5[%mul3A_570] : memref<25600xi32, #tpu.memory_space<vmem>> -> memref<128xi32, #tpu.memory_space<vmem>>
        %dma_start3A_578 = arith.constant 0 : i32
        %dma_start3A_579 = arith.constant 0 : i32
        %dma_start3A_580 = tpu.memref_slice %arg3[%dma_start3A_578, %dma_start3A_579] : memref<1000000x64xf32, #tpu.memory_space<hbm>> -> memref<1000000x64xf32, #tpu.memory_space<hbm>>
        %dma_start3A_581 = tpu.memref_slice %arg7[%dma_start3A_572] : memref<8x!tpu.dma_semaphore, #tpu.memory_space<semaphore_mem>> -> memref<1x!tpu.dma_semaphore, #tpu.memory_space<semaphore_mem>>
        %dma_start3A_582 = tpu.memref_squeeze %dma_start3A_581 : memref<1x!tpu.dma_semaphore, #tpu.memory_space<semaphore_mem>> -> memref<!tpu.dma_semaphore, #tpu.memory_space<semaphore_mem>>
        tpu.enqueue_indirect_dma source(%dma_start3A_580 : memref<1000000x64xf32, #tpu.memory_space<hbm>>) target(%dma_start3A_576 : memref<128x64xf32, #tpu.memory_space<vmem>>) offsets(%dma_start3A_577 : memref<128xi32, #tpu.memory_space<vmem>>) semaphore(%dma_start3A_582 : memref<!tpu.dma_semaphore, #tpu.memory_space<semaphore_mem>>)
      } else {
      }
      %add3A_477 = arith.constant 6 : i32
      %add3A_478 = arith.addi %add3A_215, %add3A_477 : i32
      %dma_wait3A_479 = arith.constant 6 : i32
      %dma_wait3A_480 = arith.constant 6 : i32
      %dma_wait3A_481 = arith.constant 0 : i32
      %dma_wait3A_482 = arith.constant 0 : i32
      %dma_wait3A_483 = tpu.memref_slice %arg6[%dma_wait3A_479, %dma_wait3A_481, %dma_wait3A_482] : memref<8x128x64xf32, #tpu.memory_space<vmem>> -> memref<1x128x64xf32, #tpu.memory_space<vmem>>
      %dma_wait3A_484 = tpu.memref_squeeze %dma_wait3A_483 : memref<1x128x64xf32, #tpu.memory_space<vmem>> -> memref<128x64xf32, #tpu.memory_space<vmem>>
      %dma_wait3A_485 = arith.constant 0 : i32
      %dma_wait3A_486 = tpu.memref_slice %arg4[%mul3A_2, %dma_wait3A_485] : memref<819200x64xf32, #tpu.memory_space<hbm>> -> memref<128x64xf32, #tpu.memory_space<hbm>>
      %dma_wait3A_487 = tpu.memref_slice %arg7[%dma_wait3A_480] : memref<8x!tpu.dma_semaphore, #tpu.memory_space<semaphore_mem>> -> memref<1x!tpu.dma_semaphore, #tpu.memory_space<semaphore_mem>>
      %dma_wait3A_488 = tpu.memref_squeeze %dma_wait3A_487 : memref<1x!tpu.dma_semaphore, #tpu.memory_space<semaphore_mem>> -> memref<!tpu.dma_semaphore, #tpu.memory_space<semaphore_mem>>
      %dma_wait3A_489 = arith.constant 0 : i32
      %dma_wait3A_490 = arith.constant 0 : i32
      %dma_wait3A_491 = tpu.memref_slice %arg6[%dma_wait3A_479, %dma_wait3A_489, %dma_wait3A_490] : memref<8x128x64xf32, #tpu.memory_space<vmem>> -> memref<1x128x64xf32, #tpu.memory_space<vmem>>
      %dma_wait3A_492 = tpu.memref_squeeze %dma_wait3A_491 : memref<1x128x64xf32, #tpu.memory_space<vmem>> -> memref<128x64xf32, #tpu.memory_space<vmem>>
      %dma_wait3A_493 = arith.constant 0 : i32
      %dma_wait3A_494 = tpu.memref_slice %arg4[%mul3A_2, %dma_wait3A_493] : memref<819200x64xf32, #tpu.memory_space<hbm>> -> memref<128x64xf32, #tpu.memory_space<hbm>>
      tpu.wait_dma2 semaphore(%dma_wait3A_488 : memref<!tpu.dma_semaphore, #tpu.memory_space<semaphore_mem>>) src(%dma_wait3A_494 : memref<128x64xf32, #tpu.memory_space<hbm>>) dst(%dma_wait3A_492 : memref<128x64xf32, #tpu.memory_space<vmem>>)
      %mul3A_495 = arith.constant 128 : i32
      %mul3A_496 = arith.muli %add3A_478, %mul3A_495 : i32
      %add3A_497 = arith.addi %mul3A_2, %mul3A_496 : i32
      %dma_start3A_498 = arith.constant 6 : i32
      %dma_start3A_499 = arith.constant 6 : i32
      %dma_start3A_500 = arith.constant 0 : i32
      %dma_start3A_501 = arith.constant 0 : i32
      %dma_start3A_502 = tpu.memref_slice %arg6[%dma_start3A_498, %dma_start3A_500, %dma_start3A_501] : memref<8x128x64xf32, #tpu.memory_space<vmem>> -> memref<1x128x64xf32, #tpu.memory_space<vmem>>
      %dma_start3A_503 = tpu.memref_squeeze %dma_start3A_502 : memref<1x128x64xf32, #tpu.memory_space<vmem>> -> memref<128x64xf32, #tpu.memory_space<vmem>>
      %dma_start3A_504 = arith.constant 0 : i32
      %dma_start3A_505 = tpu.memref_slice %arg4[%add3A_497, %dma_start3A_504] : memref<819200x64xf32, #tpu.memory_space<hbm>> -> memref<128x64xf32, #tpu.memory_space<hbm>>
      %dma_start3A_506 = tpu.memref_slice %arg8[%dma_start3A_499] : memref<8x!tpu.dma_semaphore, #tpu.memory_space<semaphore_mem>> -> memref<1x!tpu.dma_semaphore, #tpu.memory_space<semaphore_mem>>
      %dma_start3A_507 = tpu.memref_squeeze %dma_start3A_506 : memref<1x!tpu.dma_semaphore, #tpu.memory_space<semaphore_mem>> -> memref<!tpu.dma_semaphore, #tpu.memory_space<semaphore_mem>>
      %dma_start3A_508 = arith.constant 0 : i32
      %dma_start3A_509 = tpu.memref_slice %arg4[%add3A_497, %dma_start3A_508] : memref<819200x64xf32, #tpu.memory_space<hbm>> -> memref<128x64xf32, #tpu.memory_space<hbm>>
      %dma_start3A_510 = arith.constant 0 : i32
      %dma_start3A_511 = arith.constant 0 : i32
      %dma_start3A_512 = tpu.memref_slice %arg6[%dma_start3A_498, %dma_start3A_510, %dma_start3A_511] : memref<8x128x64xf32, #tpu.memory_space<vmem>> -> memref<1x128x64xf32, #tpu.memory_space<vmem>>
      %dma_start3A_513 = tpu.memref_squeeze %dma_start3A_512 : memref<1x128x64xf32, #tpu.memory_space<vmem>> -> memref<128x64xf32, #tpu.memory_space<vmem>>
      tpu.enqueue_dma source(%dma_start3A_513 : memref<128x64xf32, #tpu.memory_space<vmem>>) target(%dma_start3A_509 : memref<128x64xf32, #tpu.memory_space<hbm>>) target_semaphore(%dma_start3A_507 : memref<!tpu.dma_semaphore, #tpu.memory_space<semaphore_mem>>)
      %add3A_514 = arith.constant 6 : i32
      %add3A_515 = arith.addi %add3A_478, %add3A_514 : i32
      %lt3A_516 = arith.constant 200 : i32
      %lt3A_517 = arith.cmpi slt, %add3A_515, %lt3A_516 : i32
      %convert_element_type3A_518 = arith.extui %lt3A_517 : i1 to i32
      %cond3A_519 = arith.constant 0 : i32
      %cond3A_520 = arith.cmpi ne, %convert_element_type3A_518, %cond3A_519 : i32
      scf.if %cond3A_520 {
        %ge3A = arith.constant 8 : i32
        %ge3A_565 = arith.cmpi sge, %add3A_515, %ge3A : i32
        %convert_element_type3A_566 = arith.extui %ge3A_565 : i1 to i32
        %cond3A_567 = arith.constant 0 : i32
        %cond3A_568 = arith.cmpi ne, %convert_element_type3A_566, %cond3A_567 : i32
        scf.if %cond3A_568 {
          %dma_wait3A_583 = arith.constant 4 : i32
          %dma_wait3A_584 = arith.constant 4 : i32
          %dma_wait3A_585 = arith.constant 0 : i32
          %dma_wait3A_586 = arith.constant 0 : i32
          %dma_wait3A_587 = tpu.memref_slice %arg6[%dma_wait3A_583, %dma_wait3A_585, %dma_wait3A_586] : memref<8x128x64xf32, #tpu.memory_space<vmem>> -> memref<1x128x64xf32, #tpu.memory_space<vmem>>
          %dma_wait3A_588 = tpu.memref_squeeze %dma_wait3A_587 : memref<1x128x64xf32, #tpu.memory_space<vmem>> -> memref<128x64xf32, #tpu.memory_space<vmem>>
          %dma_wait3A_589 = arith.constant 0 : i32
          %dma_wait3A_590 = tpu.memref_slice %arg4[%mul3A_2, %dma_wait3A_589] : memref<819200x64xf32, #tpu.memory_space<hbm>> -> memref<128x64xf32, #tpu.memory_space<hbm>>
          %dma_wait3A_591 = tpu.memref_slice %arg8[%dma_wait3A_584] : memref<8x!tpu.dma_semaphore, #tpu.memory_space<semaphore_mem>> -> memref<1x!tpu.dma_semaphore, #tpu.memory_space<semaphore_mem>>
          %dma_wait3A_592 = tpu.memref_squeeze %dma_wait3A_591 : memref<1x!tpu.dma_semaphore, #tpu.memory_space<semaphore_mem>> -> memref<!tpu.dma_semaphore, #tpu.memory_space<semaphore_mem>>
          %dma_wait3A_593 = arith.constant 0 : i32
          %dma_wait3A_594 = arith.constant 0 : i32
          %dma_wait3A_595 = tpu.memref_slice %arg6[%dma_wait3A_583, %dma_wait3A_593, %dma_wait3A_594] : memref<8x128x64xf32, #tpu.memory_space<vmem>> -> memref<1x128x64xf32, #tpu.memory_space<vmem>>
          %dma_wait3A_596 = tpu.memref_squeeze %dma_wait3A_595 : memref<1x128x64xf32, #tpu.memory_space<vmem>> -> memref<128x64xf32, #tpu.memory_space<vmem>>
          %dma_wait3A_597 = arith.constant 0 : i32
          %dma_wait3A_598 = tpu.memref_slice %arg4[%mul3A_2, %dma_wait3A_597] : memref<819200x64xf32, #tpu.memory_space<hbm>> -> memref<128x64xf32, #tpu.memory_space<hbm>>
          tpu.wait_dma2 semaphore(%dma_wait3A_592 : memref<!tpu.dma_semaphore, #tpu.memory_space<semaphore_mem>>) src(%dma_wait3A_598 : memref<128x64xf32, #tpu.memory_space<hbm>>) dst(%dma_wait3A_596 : memref<128x64xf32, #tpu.memory_space<vmem>>)
        } else {
        }
        %mul3A_569 = arith.constant 128 : i32
        %mul3A_570 = arith.muli %add3A_515, %mul3A_569 : i32
        %dma_start3A_571 = arith.constant 4 : i32
        %dma_start3A_572 = arith.constant 4 : i32
        %dma_start3A_573 = arith.constant 0 : i32
        %dma_start3A_574 = arith.constant 0 : i32
        %dma_start3A_575 = tpu.memref_slice %arg6[%dma_start3A_571, %dma_start3A_573, %dma_start3A_574] : memref<8x128x64xf32, #tpu.memory_space<vmem>> -> memref<1x128x64xf32, #tpu.memory_space<vmem>>
        %dma_start3A_576 = tpu.memref_squeeze %dma_start3A_575 : memref<1x128x64xf32, #tpu.memory_space<vmem>> -> memref<128x64xf32, #tpu.memory_space<vmem>>
        %dma_start3A_577 = tpu.memref_slice %arg5[%mul3A_570] : memref<25600xi32, #tpu.memory_space<vmem>> -> memref<128xi32, #tpu.memory_space<vmem>>
        %dma_start3A_578 = arith.constant 0 : i32
        %dma_start3A_579 = arith.constant 0 : i32
        %dma_start3A_580 = tpu.memref_slice %arg3[%dma_start3A_578, %dma_start3A_579] : memref<1000000x64xf32, #tpu.memory_space<hbm>> -> memref<1000000x64xf32, #tpu.memory_space<hbm>>
        %dma_start3A_581 = tpu.memref_slice %arg7[%dma_start3A_572] : memref<8x!tpu.dma_semaphore, #tpu.memory_space<semaphore_mem>> -> memref<1x!tpu.dma_semaphore, #tpu.memory_space<semaphore_mem>>
        %dma_start3A_582 = tpu.memref_squeeze %dma_start3A_581 : memref<1x!tpu.dma_semaphore, #tpu.memory_space<semaphore_mem>> -> memref<!tpu.dma_semaphore, #tpu.memory_space<semaphore_mem>>
        tpu.enqueue_indirect_dma source(%dma_start3A_580 : memref<1000000x64xf32, #tpu.memory_space<hbm>>) target(%dma_start3A_576 : memref<128x64xf32, #tpu.memory_space<vmem>>) offsets(%dma_start3A_577 : memref<128xi32, #tpu.memory_space<vmem>>) semaphore(%dma_start3A_582 : memref<!tpu.dma_semaphore, #tpu.memory_space<semaphore_mem>>)
      } else {
      }
      %add3A_521 = arith.constant 7 : i32
      %add3A_522 = arith.addi %add3A_215, %add3A_521 : i32
      %dma_wait3A_523 = arith.constant 7 : i32
      %dma_wait3A_524 = arith.constant 7 : i32
      %dma_wait3A_525 = arith.constant 0 : i32
      %dma_wait3A_526 = arith.constant 0 : i32
      %dma_wait3A_527 = tpu.memref_slice %arg6[%dma_wait3A_523, %dma_wait3A_525, %dma_wait3A_526] : memref<8x128x64xf32, #tpu.memory_space<vmem>> -> memref<1x128x64xf32, #tpu.memory_space<vmem>>
      %dma_wait3A_528 = tpu.memref_squeeze %dma_wait3A_527 : memref<1x128x64xf32, #tpu.memory_space<vmem>> -> memref<128x64xf32, #tpu.memory_space<vmem>>
      %dma_wait3A_529 = arith.constant 0 : i32
      %dma_wait3A_530 = tpu.memref_slice %arg4[%mul3A_2, %dma_wait3A_529] : memref<819200x64xf32, #tpu.memory_space<hbm>> -> memref<128x64xf32, #tpu.memory_space<hbm>>
      %dma_wait3A_531 = tpu.memref_slice %arg7[%dma_wait3A_524] : memref<8x!tpu.dma_semaphore, #tpu.memory_space<semaphore_mem>> -> memref<1x!tpu.dma_semaphore, #tpu.memory_space<semaphore_mem>>
      %dma_wait3A_532 = tpu.memref_squeeze %dma_wait3A_531 : memref<1x!tpu.dma_semaphore, #tpu.memory_space<semaphore_mem>> -> memref<!tpu.dma_semaphore, #tpu.memory_space<semaphore_mem>>
      %dma_wait3A_533 = arith.constant 0 : i32
      %dma_wait3A_534 = arith.constant 0 : i32
      %dma_wait3A_535 = tpu.memref_slice %arg6[%dma_wait3A_523, %dma_wait3A_533, %dma_wait3A_534] : memref<8x128x64xf32, #tpu.memory_space<vmem>> -> memref<1x128x64xf32, #tpu.memory_space<vmem>>
      %dma_wait3A_536 = tpu.memref_squeeze %dma_wait3A_535 : memref<1x128x64xf32, #tpu.memory_space<vmem>> -> memref<128x64xf32, #tpu.memory_space<vmem>>
      %dma_wait3A_537 = arith.constant 0 : i32
      %dma_wait3A_538 = tpu.memref_slice %arg4[%mul3A_2, %dma_wait3A_537] : memref<819200x64xf32, #tpu.memory_space<hbm>> -> memref<128x64xf32, #tpu.memory_space<hbm>>
      tpu.wait_dma2 semaphore(%dma_wait3A_532 : memref<!tpu.dma_semaphore, #tpu.memory_space<semaphore_mem>>) src(%dma_wait3A_538 : memref<128x64xf32, #tpu.memory_space<hbm>>) dst(%dma_wait3A_536 : memref<128x64xf32, #tpu.memory_space<vmem>>)
      %mul3A_539 = arith.constant 128 : i32
      %mul3A_540 = arith.muli %add3A_522, %mul3A_539 : i32
      %add3A_541 = arith.addi %mul3A_2, %mul3A_540 : i32
      %dma_start3A_542 = arith.constant 7 : i32
      %dma_start3A_543 = arith.constant 7 : i32
      %dma_start3A_544 = arith.constant 0 : i32
      %dma_start3A_545 = arith.constant 0 : i32
      %dma_start3A_546 = tpu.memref_slice %arg6[%dma_start3A_542, %dma_start3A_544, %dma_start3A_545] : memref<8x128x64xf32, #tpu.memory_space<vmem>> -> memref<1x128x64xf32, #tpu.memory_space<vmem>>
      %dma_start3A_547 = tpu.memref_squeeze %dma_start3A_546 : memref<1x128x64xf32, #tpu.memory_space<vmem>> -> memref<128x64xf32, #tpu.memory_space<vmem>>
      %dma_start3A_548 = arith.constant 0 : i32
      %dma_start3A_549 = tpu.memref_slice %arg4[%add3A_541, %dma_start3A_548] : memref<819200x64xf32, #tpu.memory_space<hbm>> -> memref<128x64xf32, #tpu.memory_space<hbm>>
      %dma_start3A_550 = tpu.memref_slice %arg8[%dma_start3A_543] : memref<8x!tpu.dma_semaphore, #tpu.memory_space<semaphore_mem>> -> memref<1x!tpu.dma_semaphore, #tpu.memory_space<semaphore_mem>>
      %dma_start3A_551 = tpu.memref_squeeze %dma_start3A_550 : memref<1x!tpu.dma_semaphore, #tpu.memory_space<semaphore_mem>> -> memref<!tpu.dma_semaphore, #tpu.memory_space<semaphore_mem>>
      %dma_start3A_552 = arith.constant 0 : i32
      %dma_start3A_553 = tpu.memref_slice %arg4[%add3A_541, %dma_start3A_552] : memref<819200x64xf32, #tpu.memory_space<hbm>> -> memref<128x64xf32, #tpu.memory_space<hbm>>
      %dma_start3A_554 = arith.constant 0 : i32
      %dma_start3A_555 = arith.constant 0 : i32
      %dma_start3A_556 = tpu.memref_slice %arg6[%dma_start3A_542, %dma_start3A_554, %dma_start3A_555] : memref<8x128x64xf32, #tpu.memory_space<vmem>> -> memref<1x128x64xf32, #tpu.memory_space<vmem>>
      %dma_start3A_557 = tpu.memref_squeeze %dma_start3A_556 : memref<1x128x64xf32, #tpu.memory_space<vmem>> -> memref<128x64xf32, #tpu.memory_space<vmem>>
      tpu.enqueue_dma source(%dma_start3A_557 : memref<128x64xf32, #tpu.memory_space<vmem>>) target(%dma_start3A_553 : memref<128x64xf32, #tpu.memory_space<hbm>>) target_semaphore(%dma_start3A_551 : memref<!tpu.dma_semaphore, #tpu.memory_space<semaphore_mem>>)
      %add3A_558 = arith.constant 6 : i32
      %add3A_559 = arith.addi %add3A_522, %add3A_558 : i32
      %lt3A_560 = arith.constant 200 : i32
      %lt3A_561 = arith.cmpi slt, %add3A_559, %lt3A_560 : i32
      %convert_element_type3A_562 = arith.extui %lt3A_561 : i1 to i32
      %cond3A_563 = arith.constant 0 : i32
      %cond3A_564 = arith.cmpi ne, %convert_element_type3A_562, %cond3A_563 : i32
      scf.if %cond3A_564 {
        %ge3A = arith.constant 8 : i32
        %ge3A_565 = arith.cmpi sge, %add3A_559, %ge3A : i32
        %convert_element_type3A_566 = arith.extui %ge3A_565 : i1 to i32
        %cond3A_567 = arith.constant 0 : i32
        %cond3A_568 = arith.cmpi ne, %convert_element_type3A_566, %cond3A_567 : i32
        scf.if %cond3A_568 {
          %dma_wait3A_583 = arith.constant 5 : i32
          %dma_wait3A_584 = arith.constant 5 : i32
          %dma_wait3A_585 = arith.constant 0 : i32
          %dma_wait3A_586 = arith.constant 0 : i32
          %dma_wait3A_587 = tpu.memref_slice %arg6[%dma_wait3A_583, %dma_wait3A_585, %dma_wait3A_586] : memref<8x128x64xf32, #tpu.memory_space<vmem>> -> memref<1x128x64xf32, #tpu.memory_space<vmem>>
          %dma_wait3A_588 = tpu.memref_squeeze %dma_wait3A_587 : memref<1x128x64xf32, #tpu.memory_space<vmem>> -> memref<128x64xf32, #tpu.memory_space<vmem>>
          %dma_wait3A_589 = arith.constant 0 : i32
          %dma_wait3A_590 = tpu.memref_slice %arg4[%mul3A_2, %dma_wait3A_589] : memref<819200x64xf32, #tpu.memory_space<hbm>> -> memref<128x64xf32, #tpu.memory_space<hbm>>
          %dma_wait3A_591 = tpu.memref_slice %arg8[%dma_wait3A_584] : memref<8x!tpu.dma_semaphore, #tpu.memory_space<semaphore_mem>> -> memref<1x!tpu.dma_semaphore, #tpu.memory_space<semaphore_mem>>
          %dma_wait3A_592 = tpu.memref_squeeze %dma_wait3A_591 : memref<1x!tpu.dma_semaphore, #tpu.memory_space<semaphore_mem>> -> memref<!tpu.dma_semaphore, #tpu.memory_space<semaphore_mem>>
          %dma_wait3A_593 = arith.constant 0 : i32
          %dma_wait3A_594 = arith.constant 0 : i32
          %dma_wait3A_595 = tpu.memref_slice %arg6[%dma_wait3A_583, %dma_wait3A_593, %dma_wait3A_594] : memref<8x128x64xf32, #tpu.memory_space<vmem>> -> memref<1x128x64xf32, #tpu.memory_space<vmem>>
          %dma_wait3A_596 = tpu.memref_squeeze %dma_wait3A_595 : memref<1x128x64xf32, #tpu.memory_space<vmem>> -> memref<128x64xf32, #tpu.memory_space<vmem>>
          %dma_wait3A_597 = arith.constant 0 : i32
          %dma_wait3A_598 = tpu.memref_slice %arg4[%mul3A_2, %dma_wait3A_597] : memref<819200x64xf32, #tpu.memory_space<hbm>> -> memref<128x64xf32, #tpu.memory_space<hbm>>
          tpu.wait_dma2 semaphore(%dma_wait3A_592 : memref<!tpu.dma_semaphore, #tpu.memory_space<semaphore_mem>>) src(%dma_wait3A_598 : memref<128x64xf32, #tpu.memory_space<hbm>>) dst(%dma_wait3A_596 : memref<128x64xf32, #tpu.memory_space<vmem>>)
        } else {
        }
        %mul3A_569 = arith.constant 128 : i32
        %mul3A_570 = arith.muli %add3A_559, %mul3A_569 : i32
        %dma_start3A_571 = arith.constant 5 : i32
        %dma_start3A_572 = arith.constant 5 : i32
        %dma_start3A_573 = arith.constant 0 : i32
        %dma_start3A_574 = arith.constant 0 : i32
        %dma_start3A_575 = tpu.memref_slice %arg6[%dma_start3A_571, %dma_start3A_573, %dma_start3A_574] : memref<8x128x64xf32, #tpu.memory_space<vmem>> -> memref<1x128x64xf32, #tpu.memory_space<vmem>>
        %dma_start3A_576 = tpu.memref_squeeze %dma_start3A_575 : memref<1x128x64xf32, #tpu.memory_space<vmem>> -> memref<128x64xf32, #tpu.memory_space<vmem>>
        %dma_start3A_577 = tpu.memref_slice %arg5[%mul3A_570] : memref<25600xi32, #tpu.memory_space<vmem>> -> memref<128xi32, #tpu.memory_space<vmem>>
        %dma_start3A_578 = arith.constant 0 : i32
        %dma_start3A_579 = arith.constant 0 : i32
        %dma_start3A_580 = tpu.memref_slice %arg3[%dma_start3A_578, %dma_start3A_579] : memref<1000000x64xf32, #tpu.memory_space<hbm>> -> memref<1000000x64xf32, #tpu.memory_space<hbm>>
        %dma_start3A_581 = tpu.memref_slice %arg7[%dma_start3A_572] : memref<8x!tpu.dma_semaphore, #tpu.memory_space<semaphore_mem>> -> memref<1x!tpu.dma_semaphore, #tpu.memory_space<semaphore_mem>>
        %dma_start3A_582 = tpu.memref_squeeze %dma_start3A_581 : memref<1x!tpu.dma_semaphore, #tpu.memory_space<semaphore_mem>> -> memref<!tpu.dma_semaphore, #tpu.memory_space<semaphore_mem>>
        tpu.enqueue_indirect_dma source(%dma_start3A_580 : memref<1000000x64xf32, #tpu.memory_space<hbm>>) target(%dma_start3A_576 : memref<128x64xf32, #tpu.memory_space<vmem>>) offsets(%dma_start3A_577 : memref<128xi32, #tpu.memory_space<vmem>>) semaphore(%dma_start3A_582 : memref<!tpu.dma_semaphore, #tpu.memory_space<semaphore_mem>>)
      } else {
      }
    }
    %scan3A_83 = arith.constant 25 : i32
    %dma_wait3A = arith.constant 0 : i32
    %dma_wait3A_84 = arith.constant 0 : i32
    %dma_wait3A_85 = arith.constant 0 : i32
    %dma_wait3A_86 = arith.constant 0 : i32
    %dma_wait3A_87 = tpu.memref_slice %arg6[%dma_wait3A, %dma_wait3A_85, %dma_wait3A_86] : memref<8x128x64xf32, #tpu.memory_space<vmem>> -> memref<1x128x64xf32, #tpu.memory_space<vmem>>
    %dma_wait3A_88 = tpu.memref_squeeze %dma_wait3A_87 : memref<1x128x64xf32, #tpu.memory_space<vmem>> -> memref<128x64xf32, #tpu.memory_space<vmem>>
    %dma_wait3A_89 = arith.constant 0 : i32
    %dma_wait3A_90 = tpu.memref_slice %arg4[%mul3A_2, %dma_wait3A_89] : memref<819200x64xf32, #tpu.memory_space<hbm>> -> memref<128x64xf32, #tpu.memory_space<hbm>>
    %dma_wait3A_91 = tpu.memref_slice %arg8[%dma_wait3A_84] : memref<8x!tpu.dma_semaphore, #tpu.memory_space<semaphore_mem>> -> memref<1x!tpu.dma_semaphore, #tpu.memory_space<semaphore_mem>>
    %dma_wait3A_92 = tpu.memref_squeeze %dma_wait3A_91 : memref<1x!tpu.dma_semaphore, #tpu.memory_space<semaphore_mem>> -> memref<!tpu.dma_semaphore, #tpu.memory_space<semaphore_mem>>
    %dma_wait3A_93 = arith.constant 0 : i32
    %dma_wait3A_94 = arith.constant 0 : i32
    %dma_wait3A_95 = tpu.memref_slice %arg6[%dma_wait3A, %dma_wait3A_93, %dma_wait3A_94] : memref<8x128x64xf32, #tpu.memory_space<vmem>> -> memref<1x128x64xf32, #tpu.memory_space<vmem>>
    %dma_wait3A_96 = tpu.memref_squeeze %dma_wait3A_95 : memref<1x128x64xf32, #tpu.memory_space<vmem>> -> memref<128x64xf32, #tpu.memory_space<vmem>>
    %dma_wait3A_97 = arith.constant 0 : i32
    %dma_wait3A_98 = tpu.memref_slice %arg4[%mul3A_2, %dma_wait3A_97] : memref<819200x64xf32, #tpu.memory_space<hbm>> -> memref<128x64xf32, #tpu.memory_space<hbm>>
    tpu.wait_dma2 semaphore(%dma_wait3A_92 : memref<!tpu.dma_semaphore, #tpu.memory_space<semaphore_mem>>) src(%dma_wait3A_98 : memref<128x64xf32, #tpu.memory_space<hbm>>) dst(%dma_wait3A_96 : memref<128x64xf32, #tpu.memory_space<vmem>>)
    %dma_wait3A_99 = arith.constant 1 : i32
    %dma_wait3A_100 = arith.constant 1 : i32
    %dma_wait3A_101 = arith.constant 0 : i32
    %dma_wait3A_102 = arith.constant 0 : i32
    %dma_wait3A_103 = tpu.memref_slice %arg6[%dma_wait3A_99, %dma_wait3A_101, %dma_wait3A_102] : memref<8x128x64xf32, #tpu.memory_space<vmem>> -> memref<1x128x64xf32, #tpu.memory_space<vmem>>
    %dma_wait3A_104 = tpu.memref_squeeze %dma_wait3A_103 : memref<1x128x64xf32, #tpu.memory_space<vmem>> -> memref<128x64xf32, #tpu.memory_space<vmem>>
    %dma_wait3A_105 = arith.constant 0 : i32
    %dma_wait3A_106 = tpu.memref_slice %arg4[%mul3A_2, %dma_wait3A_105] : memref<819200x64xf32, #tpu.memory_space<hbm>> -> memref<128x64xf32, #tpu.memory_space<hbm>>
    %dma_wait3A_107 = tpu.memref_slice %arg8[%dma_wait3A_100] : memref<8x!tpu.dma_semaphore, #tpu.memory_space<semaphore_mem>> -> memref<1x!tpu.dma_semaphore, #tpu.memory_space<semaphore_mem>>
    %dma_wait3A_108 = tpu.memref_squeeze %dma_wait3A_107 : memref<1x!tpu.dma_semaphore, #tpu.memory_space<semaphore_mem>> -> memref<!tpu.dma_semaphore, #tpu.memory_space<semaphore_mem>>
    %dma_wait3A_109 = arith.constant 0 : i32
    %dma_wait3A_110 = arith.constant 0 : i32
    %dma_wait3A_111 = tpu.memref_slice %arg6[%dma_wait3A_99, %dma_wait3A_109, %dma_wait3A_110] : memref<8x128x64xf32, #tpu.memory_space<vmem>> -> memref<1x128x64xf32, #tpu.memory_space<vmem>>
    %dma_wait3A_112 = tpu.memref_squeeze %dma_wait3A_111 : memref<1x128x64xf32, #tpu.memory_space<vmem>> -> memref<128x64xf32, #tpu.memory_space<vmem>>
    %dma_wait3A_113 = arith.constant 0 : i32
    %dma_wait3A_114 = tpu.memref_slice %arg4[%mul3A_2, %dma_wait3A_113] : memref<819200x64xf32, #tpu.memory_space<hbm>> -> memref<128x64xf32, #tpu.memory_space<hbm>>
    tpu.wait_dma2 semaphore(%dma_wait3A_108 : memref<!tpu.dma_semaphore, #tpu.memory_space<semaphore_mem>>) src(%dma_wait3A_114 : memref<128x64xf32, #tpu.memory_space<hbm>>) dst(%dma_wait3A_112 : memref<128x64xf32, #tpu.memory_space<vmem>>)
    %dma_wait3A_115 = arith.constant 2 : i32
    %dma_wait3A_116 = arith.constant 2 : i32
    %dma_wait3A_117 = arith.constant 0 : i32
    %dma_wait3A_118 = arith.constant 0 : i32
    %dma_wait3A_119 = tpu.memref_slice %arg6[%dma_wait3A_115, %dma_wait3A_117, %dma_wait3A_118] : memref<8x128x64xf32, #tpu.memory_space<vmem>> -> memref<1x128x64xf32, #tpu.memory_space<vmem>>
    %dma_wait3A_120 = tpu.memref_squeeze %dma_wait3A_119 : memref<1x128x64xf32, #tpu.memory_space<vmem>> -> memref<128x64xf32, #tpu.memory_space<vmem>>
    %dma_wait3A_121 = arith.constant 0 : i32
    %dma_wait3A_122 = tpu.memref_slice %arg4[%mul3A_2, %dma_wait3A_121] : memref<819200x64xf32, #tpu.memory_space<hbm>> -> memref<128x64xf32, #tpu.memory_space<hbm>>
    %dma_wait3A_123 = tpu.memref_slice %arg8[%dma_wait3A_116] : memref<8x!tpu.dma_semaphore, #tpu.memory_space<semaphore_mem>> -> memref<1x!tpu.dma_semaphore, #tpu.memory_space<semaphore_mem>>
    %dma_wait3A_124 = tpu.memref_squeeze %dma_wait3A_123 : memref<1x!tpu.dma_semaphore, #tpu.memory_space<semaphore_mem>> -> memref<!tpu.dma_semaphore, #tpu.memory_space<semaphore_mem>>
    %dma_wait3A_125 = arith.constant 0 : i32
    %dma_wait3A_126 = arith.constant 0 : i32
    %dma_wait3A_127 = tpu.memref_slice %arg6[%dma_wait3A_115, %dma_wait3A_125, %dma_wait3A_126] : memref<8x128x64xf32, #tpu.memory_space<vmem>> -> memref<1x128x64xf32, #tpu.memory_space<vmem>>
    %dma_wait3A_128 = tpu.memref_squeeze %dma_wait3A_127 : memref<1x128x64xf32, #tpu.memory_space<vmem>> -> memref<128x64xf32, #tpu.memory_space<vmem>>
    %dma_wait3A_129 = arith.constant 0 : i32
    %dma_wait3A_130 = tpu.memref_slice %arg4[%mul3A_2, %dma_wait3A_129] : memref<819200x64xf32, #tpu.memory_space<hbm>> -> memref<128x64xf32, #tpu.memory_space<hbm>>
    tpu.wait_dma2 semaphore(%dma_wait3A_124 : memref<!tpu.dma_semaphore, #tpu.memory_space<semaphore_mem>>) src(%dma_wait3A_130 : memref<128x64xf32, #tpu.memory_space<hbm>>) dst(%dma_wait3A_128 : memref<128x64xf32, #tpu.memory_space<vmem>>)
    %dma_wait3A_131 = arith.constant 3 : i32
    %dma_wait3A_132 = arith.constant 3 : i32
    %dma_wait3A_133 = arith.constant 0 : i32
    %dma_wait3A_134 = arith.constant 0 : i32
    %dma_wait3A_135 = tpu.memref_slice %arg6[%dma_wait3A_131, %dma_wait3A_133, %dma_wait3A_134] : memref<8x128x64xf32, #tpu.memory_space<vmem>> -> memref<1x128x64xf32, #tpu.memory_space<vmem>>
    %dma_wait3A_136 = tpu.memref_squeeze %dma_wait3A_135 : memref<1x128x64xf32, #tpu.memory_space<vmem>> -> memref<128x64xf32, #tpu.memory_space<vmem>>
    %dma_wait3A_137 = arith.constant 0 : i32
    %dma_wait3A_138 = tpu.memref_slice %arg4[%mul3A_2, %dma_wait3A_137] : memref<819200x64xf32, #tpu.memory_space<hbm>> -> memref<128x64xf32, #tpu.memory_space<hbm>>
    %dma_wait3A_139 = tpu.memref_slice %arg8[%dma_wait3A_132] : memref<8x!tpu.dma_semaphore, #tpu.memory_space<semaphore_mem>> -> memref<1x!tpu.dma_semaphore, #tpu.memory_space<semaphore_mem>>
    %dma_wait3A_140 = tpu.memref_squeeze %dma_wait3A_139 : memref<1x!tpu.dma_semaphore, #tpu.memory_space<semaphore_mem>> -> memref<!tpu.dma_semaphore, #tpu.memory_space<semaphore_mem>>
    %dma_wait3A_141 = arith.constant 0 : i32
    %dma_wait3A_142 = arith.constant 0 : i32
    %dma_wait3A_143 = tpu.memref_slice %arg6[%dma_wait3A_131, %dma_wait3A_141, %dma_wait3A_142] : memref<8x128x64xf32, #tpu.memory_space<vmem>> -> memref<1x128x64xf32, #tpu.memory_space<vmem>>
    %dma_wait3A_144 = tpu.memref_squeeze %dma_wait3A_143 : memref<1x128x64xf32, #tpu.memory_space<vmem>> -> memref<128x64xf32, #tpu.memory_space<vmem>>
    %dma_wait3A_145 = arith.constant 0 : i32
    %dma_wait3A_146 = tpu.memref_slice %arg4[%mul3A_2, %dma_wait3A_145] : memref<819200x64xf32, #tpu.memory_space<hbm>> -> memref<128x64xf32, #tpu.memory_space<hbm>>
    tpu.wait_dma2 semaphore(%dma_wait3A_140 : memref<!tpu.dma_semaphore, #tpu.memory_space<semaphore_mem>>) src(%dma_wait3A_146 : memref<128x64xf32, #tpu.memory_space<hbm>>) dst(%dma_wait3A_144 : memref<128x64xf32, #tpu.memory_space<vmem>>)
    %dma_wait3A_147 = arith.constant 4 : i32
    %dma_wait3A_148 = arith.constant 4 : i32
    %dma_wait3A_149 = arith.constant 0 : i32
    %dma_wait3A_150 = arith.constant 0 : i32
    %dma_wait3A_151 = tpu.memref_slice %arg6[%dma_wait3A_147, %dma_wait3A_149, %dma_wait3A_150] : memref<8x128x64xf32, #tpu.memory_space<vmem>> -> memref<1x128x64xf32, #tpu.memory_space<vmem>>
    %dma_wait3A_152 = tpu.memref_squeeze %dma_wait3A_151 : memref<1x128x64xf32, #tpu.memory_space<vmem>> -> memref<128x64xf32, #tpu.memory_space<vmem>>
    %dma_wait3A_153 = arith.constant 0 : i32
    %dma_wait3A_154 = tpu.memref_slice %arg4[%mul3A_2, %dma_wait3A_153] : memref<819200x64xf32, #tpu.memory_space<hbm>> -> memref<128x64xf32, #tpu.memory_space<hbm>>
    %dma_wait3A_155 = tpu.memref_slice %arg8[%dma_wait3A_148] : memref<8x!tpu.dma_semaphore, #tpu.memory_space<semaphore_mem>> -> memref<1x!tpu.dma_semaphore, #tpu.memory_space<semaphore_mem>>
    %dma_wait3A_156 = tpu.memref_squeeze %dma_wait3A_155 : memref<1x!tpu.dma_semaphore, #tpu.memory_space<semaphore_mem>> -> memref<!tpu.dma_semaphore, #tpu.memory_space<semaphore_mem>>
    %dma_wait3A_157 = arith.constant 0 : i32
    %dma_wait3A_158 = arith.constant 0 : i32
    %dma_wait3A_159 = tpu.memref_slice %arg6[%dma_wait3A_147, %dma_wait3A_157, %dma_wait3A_158] : memref<8x128x64xf32, #tpu.memory_space<vmem>> -> memref<1x128x64xf32, #tpu.memory_space<vmem>>
    %dma_wait3A_160 = tpu.memref_squeeze %dma_wait3A_159 : memref<1x128x64xf32, #tpu.memory_space<vmem>> -> memref<128x64xf32, #tpu.memory_space<vmem>>
    %dma_wait3A_161 = arith.constant 0 : i32
    %dma_wait3A_162 = tpu.memref_slice %arg4[%mul3A_2, %dma_wait3A_161] : memref<819200x64xf32, #tpu.memory_space<hbm>> -> memref<128x64xf32, #tpu.memory_space<hbm>>
    tpu.wait_dma2 semaphore(%dma_wait3A_156 : memref<!tpu.dma_semaphore, #tpu.memory_space<semaphore_mem>>) src(%dma_wait3A_162 : memref<128x64xf32, #tpu.memory_space<hbm>>) dst(%dma_wait3A_160 : memref<128x64xf32, #tpu.memory_space<vmem>>)
    %dma_wait3A_163 = arith.constant 5 : i32
    %dma_wait3A_164 = arith.constant 5 : i32
    %dma_wait3A_165 = arith.constant 0 : i32
    %dma_wait3A_166 = arith.constant 0 : i32
    %dma_wait3A_167 = tpu.memref_slice %arg6[%dma_wait3A_163, %dma_wait3A_165, %dma_wait3A_166] : memref<8x128x64xf32, #tpu.memory_space<vmem>> -> memref<1x128x64xf32, #tpu.memory_space<vmem>>
    %dma_wait3A_168 = tpu.memref_squeeze %dma_wait3A_167 : memref<1x128x64xf32, #tpu.memory_space<vmem>> -> memref<128x64xf32, #tpu.memory_space<vmem>>
    %dma_wait3A_169 = arith.constant 0 : i32
    %dma_wait3A_170 = tpu.memref_slice %arg4[%mul3A_2, %dma_wait3A_169] : memref<819200x64xf32, #tpu.memory_space<hbm>> -> memref<128x64xf32, #tpu.memory_space<hbm>>
    %dma_wait3A_171 = tpu.memref_slice %arg8[%dma_wait3A_164] : memref<8x!tpu.dma_semaphore, #tpu.memory_space<semaphore_mem>> -> memref<1x!tpu.dma_semaphore, #tpu.memory_space<semaphore_mem>>
    %dma_wait3A_172 = tpu.memref_squeeze %dma_wait3A_171 : memref<1x!tpu.dma_semaphore, #tpu.memory_space<semaphore_mem>> -> memref<!tpu.dma_semaphore, #tpu.memory_space<semaphore_mem>>
    %dma_wait3A_173 = arith.constant 0 : i32
    %dma_wait3A_174 = arith.constant 0 : i32
    %dma_wait3A_175 = tpu.memref_slice %arg6[%dma_wait3A_163, %dma_wait3A_173, %dma_wait3A_174] : memref<8x128x64xf32, #tpu.memory_space<vmem>> -> memref<1x128x64xf32, #tpu.memory_space<vmem>>
    %dma_wait3A_176 = tpu.memref_squeeze %dma_wait3A_175 : memref<1x128x64xf32, #tpu.memory_space<vmem>> -> memref<128x64xf32, #tpu.memory_space<vmem>>
    %dma_wait3A_177 = arith.constant 0 : i32
    %dma_wait3A_178 = tpu.memref_slice %arg4[%mul3A_2, %dma_wait3A_177] : memref<819200x64xf32, #tpu.memory_space<hbm>> -> memref<128x64xf32, #tpu.memory_space<hbm>>
    tpu.wait_dma2 semaphore(%dma_wait3A_172 : memref<!tpu.dma_semaphore, #tpu.memory_space<semaphore_mem>>) src(%dma_wait3A_178 : memref<128x64xf32, #tpu.memory_space<hbm>>) dst(%dma_wait3A_176 : memref<128x64xf32, #tpu.memory_space<vmem>>)
    %dma_wait3A_179 = arith.constant 6 : i32
    %dma_wait3A_180 = arith.constant 6 : i32
    %dma_wait3A_181 = arith.constant 0 : i32
    %dma_wait3A_182 = arith.constant 0 : i32
    %dma_wait3A_183 = tpu.memref_slice %arg6[%dma_wait3A_179, %dma_wait3A_181, %dma_wait3A_182] : memref<8x128x64xf32, #tpu.memory_space<vmem>> -> memref<1x128x64xf32, #tpu.memory_space<vmem>>
    %dma_wait3A_184 = tpu.memref_squeeze %dma_wait3A_183 : memref<1x128x64xf32, #tpu.memory_space<vmem>> -> memref<128x64xf32, #tpu.memory_space<vmem>>
    %dma_wait3A_185 = arith.constant 0 : i32
    %dma_wait3A_186 = tpu.memref_slice %arg4[%mul3A_2, %dma_wait3A_185] : memref<819200x64xf32, #tpu.memory_space<hbm>> -> memref<128x64xf32, #tpu.memory_space<hbm>>
    %dma_wait3A_187 = tpu.memref_slice %arg8[%dma_wait3A_180] : memref<8x!tpu.dma_semaphore, #tpu.memory_space<semaphore_mem>> -> memref<1x!tpu.dma_semaphore, #tpu.memory_space<semaphore_mem>>
    %dma_wait3A_188 = tpu.memref_squeeze %dma_wait3A_187 : memref<1x!tpu.dma_semaphore, #tpu.memory_space<semaphore_mem>> -> memref<!tpu.dma_semaphore, #tpu.memory_space<semaphore_mem>>
    %dma_wait3A_189 = arith.constant 0 : i32
    %dma_wait3A_190 = arith.constant 0 : i32
    %dma_wait3A_191 = tpu.memref_slice %arg6[%dma_wait3A_179, %dma_wait3A_189, %dma_wait3A_190] : memref<8x128x64xf32, #tpu.memory_space<vmem>> -> memref<1x128x64xf32, #tpu.memory_space<vmem>>
    %dma_wait3A_192 = tpu.memref_squeeze %dma_wait3A_191 : memref<1x128x64xf32, #tpu.memory_space<vmem>> -> memref<128x64xf32, #tpu.memory_space<vmem>>
    %dma_wait3A_193 = arith.constant 0 : i32
    %dma_wait3A_194 = tpu.memref_slice %arg4[%mul3A_2, %dma_wait3A_193] : memref<819200x64xf32, #tpu.memory_space<hbm>> -> memref<128x64xf32, #tpu.memory_space<hbm>>
    tpu.wait_dma2 semaphore(%dma_wait3A_188 : memref<!tpu.dma_semaphore, #tpu.memory_space<semaphore_mem>>) src(%dma_wait3A_194 : memref<128x64xf32, #tpu.memory_space<hbm>>) dst(%dma_wait3A_192 : memref<128x64xf32, #tpu.memory_space<vmem>>)
    %dma_wait3A_195 = arith.constant 7 : i32
    %dma_wait3A_196 = arith.constant 7 : i32
    %dma_wait3A_197 = arith.constant 0 : i32
    %dma_wait3A_198 = arith.constant 0 : i32
    %dma_wait3A_199 = tpu.memref_slice %arg6[%dma_wait3A_195, %dma_wait3A_197, %dma_wait3A_198] : memref<8x128x64xf32, #tpu.memory_space<vmem>> -> memref<1x128x64xf32, #tpu.memory_space<vmem>>
    %dma_wait3A_200 = tpu.memref_squeeze %dma_wait3A_199 : memref<1x128x64xf32, #tpu.memory_space<vmem>> -> memref<128x64xf32, #tpu.memory_space<vmem>>
    %dma_wait3A_201 = arith.constant 0 : i32
    %dma_wait3A_202 = tpu.memref_slice %arg4[%mul3A_2, %dma_wait3A_201] : memref<819200x64xf32, #tpu.memory_space<hbm>> -> memref<128x64xf32, #tpu.memory_space<hbm>>
    %dma_wait3A_203 = tpu.memref_slice %arg8[%dma_wait3A_196] : memref<8x!tpu.dma_semaphore, #tpu.memory_space<semaphore_mem>> -> memref<1x!tpu.dma_semaphore, #tpu.memory_space<semaphore_mem>>
    %dma_wait3A_204 = tpu.memref_squeeze %dma_wait3A_203 : memref<1x!tpu.dma_semaphore, #tpu.memory_space<semaphore_mem>> -> memref<!tpu.dma_semaphore, #tpu.memory_space<semaphore_mem>>
    %dma_wait3A_205 = arith.constant 0 : i32
    %dma_wait3A_206 = arith.constant 0 : i32
    %dma_wait3A_207 = tpu.memref_slice %arg6[%dma_wait3A_195, %dma_wait3A_205, %dma_wait3A_206] : memref<8x128x64xf32, #tpu.memory_space<vmem>> -> memref<1x128x64xf32, #tpu.memory_space<vmem>>
    %dma_wait3A_208 = tpu.memref_squeeze %dma_wait3A_207 : memref<1x128x64xf32, #tpu.memory_space<vmem>> -> memref<128x64xf32, #tpu.memory_space<vmem>>
    %dma_wait3A_209 = arith.constant 0 : i32
    %dma_wait3A_210 = tpu.memref_slice %arg4[%mul3A_2, %dma_wait3A_209] : memref<819200x64xf32, #tpu.memory_space<hbm>> -> memref<128x64xf32, #tpu.memory_space<hbm>>
    tpu.wait_dma2 semaphore(%dma_wait3A_204 : memref<!tpu.dma_semaphore, #tpu.memory_space<semaphore_mem>>) src(%dma_wait3A_210 : memref<128x64xf32, #tpu.memory_space<hbm>>) dst(%dma_wait3A_208 : memref<128x64xf32, #tpu.memory_space<vmem>>)
    return
  }
}

</mosaic_0001>

<sc_bundles>
// kernel: kernel.3.cloned.1.call-start
scs
__scs_entry_jumppad:
0x0: {  	(pc) =	sbr.rel $0x88, $3  }
0x1: {  	(tag) =	ssettag $0x0;
	lr =	simm.s32 $0x1  }
0x2: {  	[smem:$0x3F9F] =	sst lr;
	_ =	strace $0xD0000000  }
0x3: {  	_ = 	snop  }
0x4: {  	_ = 	snop  }
0x5: {  	_ = 	snop  }
0x6: {  	_ = 	snop  }
0x7: {  	_ = 	snop  }
__scs_overlays_trampoline_lowered:
0x8: {  	[smem:$0x3FAE] =	sst s0  }
0x9: {  	[smem:$0x3FAF] =	sst s1  }
0xa: {  	[smem:$0x3FB0] =	sst s2  }
0xb: {  	[smem:$0x3FB1] =	sst s3  }
0xc: {  	[smem:$0x3FB2] =	sst s4  }
0xd: {  	[smem:$0x3FB3] =	sst s5  }
0xe: {  	[smem:$0x3FB4] =	sst s6  }
0xf: {  	[smem:$0x3FB5] =	sst s7  }
0x10: {  	[smem:$0x3FB6] =	sst s8  }
0x11: {  	[smem:$0x3FB7] =	sst s9;
	s0 =	simm.s32 @!p0 $0x0  }
0x12: {  	s1 =	sld [smem:$0x3F9D];
	s0 =	simm.s32 @p0 $0x1  }
0x13: {  	[smem:$0x3FB8] =	sst s0;
	s0 =	simm.s32 @!p1 $0x0  }
0x14: {  	s2 =	sld [smem:$0x3F9C];
	s0 =	simm.s32 @p1 $0x1  }
0x15: {  	[smem:$0x3FB9] =	sst s0;
	s0 =	simm.s32 @!p2 $0x0  }
0x16: {  	s3 =	sld [smem:$0x3FDB];
	s0 =	simm.s32 @p2 $0x1  }
0x17: {  	s4 =	simm.s32 $0x1BF5;
	[smem:$0x3FBB] =	sst s0  }
0x18: {  	s0 =	sld [smem:$0x3F9E];
	_ =	swait.ge [sflag:s4], $0x0  }
0x19: {  	s7 =	sld [smem:$0x3F9F]  }
0x1a: {  	s8 =	sadd.s32 $0xFFFFE003, lr  }
0x1b: {  	s9 =	sadd.s32 $0xFFFFFEF7, lr;
	s5 =	simm.s32 $0xFFFFFFFF;
	p2 =	slt.u32 s8, $0xFFFFF086  }
0x1c: {  	p1 =	slt.u32 s9, $0xF7A;
	s5 =	simm.s32 @!p2 $0x0  }
0x1d: {  	s5 =	simm.s32 @p1 $0x1;
	p0 =	seq.s32 s7, s2  }
0x1e: {  	s7 =	smul.u32 @!p0 $0xF7A, s2;
	p2 =	seq.s32 @!p0 s5, $0x0  }
0x1f: {  	s9 =	smul.u32 $0xF7A, s1;
	s8 =	simm.s32 @!p0 $0x1BF5;
	p2 =	por !p2, p0  }
0x20: {  	[sflag:s8] =	ssyncset.s32 @!p0 $0xFFFFF086;
	s6 =	sadd.s32 @!p0 s3, s7;
	s7 =	simm.s32 @!p0 $0x108  }
0x21: {  	s3 =	sadd.s32 s3, s9;
	s6 =	sadd.s32 @!p0 $0x88, s6;
	s7 =	simm.s32 @p2 $0x1082  }
0x22: {  	[simem:s7], [sflag:s8] =	dma.local @!p0 [hbm:s6], $0xF7A  }
0x23: {  	s9 =	sor.u32 $0xD0000000, s2;
	s6 =	simm.s32 $0x108;
	_ =	swait.ge @!p0 [sflag:s8], $0x0  }
0x24: {  	s3 =	sadd.s32 $0x88, s3;
	s6 =	simm.s32 @!p1 $0x1082;
	[sflag:s4] =	ssyncset.s32 $0xFFFFF086  }
0x25: {  	[simem:s6], [sflag:s4] =	dma.local [hbm:s3], $0xF7A  }
0x26: {  	[smem:$0x3F9F] =	sst s1;
	(tag) =	ssettag s2;
	_ =	strace s9  }
0x27: {  	s1 =	sld [smem:$0x3FAF]  }
0x28: {  	s2 =	sld [smem:$0x3FB0]  }
0x29: {  	s4 =	sld [smem:$0x3FB2]  }
0x2a: {  	p0 =	seq.s32 s5, $0x0;
	s5 =	sld [smem:$0x3FB3]  }
0x2b: {  	s6 =	sld [smem:$0x3FB4]  }
0x2c: {  	s7 =	sld [smem:$0x3FB5]  }
0x2d: {  	s3 =	simm.s32 $0x108;
	s8 =	sld [smem:$0x3FB6]  }
0x2e: {  	s3 =	simm.s32 @!p0 $0x1082;
	s9 =	sld [smem:$0x3FB7]  }
0x2f: {  	lr =	sadd.s32 s0, s3;
	s0 =	sld [smem:$0x3FAE]  }
0x30: {  	s3 =	sld [smem:$0x3FB1]  }
0x31: {  	[smem:$0x3FBA] =	sst s10  }
0x32: {  	s10 =	sld [smem:$0x3FB8];
	_ =	sdelay $0x3  }
0x33: {  	p0 =	seq.s32 s10, $0x1;
	s10 =	sld [smem:$0x3FBA];
	_ =	sdelay $0x3  }
0x34: {  	[smem:$0x3FBA] =	sst s10  }
0x35: {  	s10 =	sld [smem:$0x3FB9];
	_ =	sdelay $0x3  }
0x36: {  	p1 =	seq.s32 s10, $0x1;
	s10 =	sld [smem:$0x3FBA];
	_ =	sdelay $0x3  }
0x37: {  	[smem:$0x3FBA] =	sst s10  }
0x38: {  	s10 =	sld [smem:$0x3FBB]  }
0x39: {  	_ = 	snop;
	(pc) =	sbr.ind lr, $3  }
0x3a: {  	_ = 	snop  }
0x3b: {  	_ = 	snop  }
0x3c: {  	p2 =	seq.s32 s10, $0x1;
	s10 =	sld [smem:$0x3FBA]  }
0x3d: {  	_ =	shalt  }
0x3e: {  	_ =	shalt  }
0x3f: {  	_ =	shalt  }
0x40: {  	_ =	shalt  }
0x41: {  	_ =	shalt  }
0x42: {  	_ =	shalt  }
0x43: {  	_ =	shalt  }
0x44: {  	_ =	shalt  }
0x45: {  	_ =	shalt  }
0x46: {  	_ =	shalt  }
0x47: {  	_ =	shalt  }
0x48: {  	_ =	shalt  }
0x49: {  	_ =	shalt  }
0x4a: {  	_ =	shalt  }
0x4b: {  	_ =	shalt  }
0x4c: {  	_ =	shalt  }
0x4d: {  	_ =	shalt  }
0x4e: {  	_ =	shalt  }
0x4f: {  	_ =	shalt  }
0x50: {  	_ =	shalt  }
0x51: {  	_ =	shalt  }
0x52: {  	_ =	shalt  }
0x53: {  	_ =	shalt  }
0x54: {  	_ =	shalt  }
0x55: {  	_ =	shalt  }
0x56: {  	_ =	shalt  }
0x57: {  	_ =	shalt  }
0x58: {  	_ =	shalt  }
0x59: {  	_ =	shalt  }
0x5a: {  	_ =	shalt  }
0x5b: {  	_ =	shalt  }
0x5c: {  	_ =	shalt  }
0x5d: {  	_ =	shalt  }
0x5e: {  	_ =	shalt  }
0x5f: {  	_ =	shalt  }
0x60: {  	_ =	shalt  }
0x61: {  	_ =	shalt  }
0x62: {  	_ =	shalt  }
0x63: {  	_ =	shalt  }
0x64: {  	_ =	shalt  }
0x65: {  	_ =	shalt  }
0x66: {  	_ =	shalt  }
0x67: {  	_ =	shalt  }
0x68: {  	_ =	shalt  }
0x69: {  	_ =	shalt  }
0x6a: {  	_ =	shalt  }
0x6b: {  	_ =	shalt  }
0x6c: {  	_ =	shalt  }
0x6d: {  	_ =	shalt  }
0x6e: {  	_ =	shalt  }
0x6f: {  	_ =	shalt  }
0x70: {  	_ =	shalt  }
0x71: {  	_ =	shalt  }
0x72: {  	_ =	shalt  }
0x73: {  	_ =	shalt  }
0x74: {  	_ =	shalt  }
0x75: {  	_ =	shalt  }
0x76: {  	_ =	shalt  }
0x77: {  	_ =	shalt  }
0x78: {  	_ =	shalt  }
0x79: {  	_ =	shalt  }
0x7a: {  	_ =	shalt  }
0x7b: {  	_ =	shalt  }
0x7c: {  	_ =	shalt  }
0x7d: {  	_ =	shalt  }
0x7e: {  	_ =	shalt  }
0x7f: {  	_ =	shalt  }
0x80: {  	_ =	shalt  }
0x81: {  	_ =	shalt  }
0x82: {  	_ =	shalt  }
0x83: {  	_ =	shalt  }
0x84: {  	_ =	shalt  }
0x85: {  	_ =	shalt  }
0x86: {  	_ =	shalt  }
0x87: {  	_ =	shalt  }
.Lfunc_end0:
.L_simem_size_0:
called_computation.1_lowered:
.L_overlay_start_0:
0x88: {  	s2 =	sld [smem:$0x3FD9]  }
0x89: {  	s3 =	sld [smem:$0x3FFE];
	_ =	sdelay $0x1  }
0x8a: {  	s1 =	srdreg.scid  }
0x8b: {  	s0 =	sand.u32 $0x1, s1  }
0x8c: {  	s17 =	sshll.u32 s0, $0xA;
	s2 =	sadd.s32 s3, s2  }
0x8d: {  	s2 =	sadd.s32 s2, s17  }
0x8e: {  	[smem:$0x3FC6] =	sst s2  }
0x8f: {  	_ = 	snop  }
0x90: {  	s2 =	sld [smem:$0x3FD0];
	(tm) =	ssettm $0x1  }
0x91: {  	s18 =	sld [smem:$0x3FFB];
	_ =	sdelay $0x3  }
0x92: {  	_ =	strace s18  }
0x93: {  	s3 =	sld [smem:$0x3FFC];
	_ =	sdelay $0x3  }
0x94: {  	_ =	strace s3  }
0x95: {  	s3 =	sld [smem:$0x3FFD];
	_ =	sdelay $0x3  }
0x96: {  	_ =	strace s3  }
0x97: {  	_ =	strace $0x8FFFFFFF  }
0x98: {  	s19 =	sld [smem:$0x3FDB];
	_ =	sdelay $0x1  }
0x99: {  	s4 =	simm.s32 $_scs_section_size  }
0x9a: {  	s5 =	simm.s32 $_size__tile_overlayer_lowered;
	s6 =	simm.s32 $_tile_overlayer_lowered  }
0x9b: {  	s22 =	simm.s32 $0x1BFF;
	s21 =	sshll.u32 s6, $0x1;
	s3 =	sadd.s32 s4, s19  }
0x9c: {  	s7 =	simm.s32 $0x0;
	s20 =	sshll.u32 s5, $0x1;
	s5 =	sadd.s32 s21, s3  }
0x9d: {  	[timem:s7], [sflag:s22] =	dma.local [hbm:s5], s20  }
0x9e: {  	_ =	swait.ge [sflag:s22], s20  }
0x9f: {  	s4 =	ssub.s32 $0x0, s20;
	[sflag:s22] =	ssyncset.done $0x0  }
0xa0: {  	[sflag:s22] =	ssyncadd.s32 s4;
	_ =	sdelay $0x1  }
0xa1: {  	s23 =	simm.s32 $0x1B8B  }
0xa2: {  	_ =	swait.ge [sflag:s23], $0x1  }
0xa3: {  	[sflag:s23] =	ssyncset.done $0x0  }
0xa4: {  	s25 =	simm.s32 $0x1B8E;
	s24 =	sld [smem:$0x3FFE];
	[sflag:s23] =	ssyncadd.s32 $0xFFFFFFFF  }
0xa5: {  	s26 =	simm.s32 $execute0_lowered;
	[smem:$0x3FD2] =	sst s25  }
0xa6: {  	s5 =	sshll.u32 s26, $0x1;
	_ =	strace $0x80000046;
	[dreg:$0x1] =	wrdreg $0xFFFFFFFF  }
0xa7: {  	s28 =	simm.s32 $_size_execute0_lowered;
	s3 =	sadd.s32 s3, s5;
	[dreg:$0x0] =	wrdreg $0x0  }
0xa8: {  	s5 =	sshll.u32 s28, $0x1;
	[dreg:$0x2] =	wrdreg s3  }
0xa9: {  	[dreg:$0x3] =	wrdreg s5  }
0xaa: {  	[dreg:$0x4] =	wrdreg $0xC0  }
0xab: {  	_ =	task [dreg:s7], $0x5FFFF  }
0xac: {  	[dreg:$0x1] =	wrdreg $0xFFFFFFFF  }
0xad: {  	[dreg:$0x0] =	wrdreg $0x60  }
0xae: {  	[dreg:$0x2] =	wrdreg s24  }
0xaf: {  	[dreg:$0x3] =	wrdreg s2  }
0xb0: {  	[dreg:$0x4] =	wrdreg $0x9  }
0xb1: {  	_ =	task.clear_ibuf [dreg:s7], $0x5FFFF;
	_ =	strace $0x90000046  }
0xb2: {  	s29 =	simm.s32 $0x9;
	_ =	strace $0x80000048  }
0xb3: {  	_ =	swait.ge [sflag:s29], $0x1  }
0xb4: {  	[sflag:s29] =	ssyncadd.s32 $0xFFFFFFFF  }
0xb5: {  	_ =	strace $0x90000048  }
0xb6: {  	_ =	sfence  }
0xb7: {  	s30 =	sld [smem:$0x0];
	_ =	sdelay $0x2  }
0xb8: {  	s31 =	sshll.u32 s1, $0xD;
	s1 =	sshrl.u32 s1, $0x2  }
0xb9: {  	s3 =	sand.u32 $0x4000, s31;
	s1 =	sadd.s32 s1, s30  }
0xba: {  	s0 =	sor.u32 s3, s0;
	s1 =	sshll.u32 s1, $0x11  }
0xbb: {  	s0 =	sor.u32 s1, s0  }
0xbc: {  	s0 =	sadd.s32 $0x8F2B, s0  }
0xbd: {  	[sflag:s0] =	ssyncadd.remote.s32 $0x1  }
0xbe: {  	_ =	sfence.sel $0xFFFF  }
0xbf: {  	[dreg:$0x0] =	wrdreg $0xFFFFFFFF;
	(pc) =	sbr.abs _section_cstart, $3  }
0xc0: {  	[dreg:$0x1] =	wrdreg $0xFFFFFFFF  }
0xc1: {  	_ =	task.clear_ibuf [dreg:s7], $0x2FFFF;
	_ =	strace $0x9FFFFFFF  }
0xc2: {  	(tm) =	ssettm $0x7FFFFFFF  }
0xc3: {  	_ =	shalt  }
tec
execute0_lowered:
.L_overlay_start_1:
0x0: {  	(tag) =	ssettag $0x1  }
0x1: {  	s0 =	srdreg.scid;
	s4 =	stileid.u32  }
0x2: {  	s1 =	rddreg [dreg:$0x0];
	s3 =	simm.s32 $0x0;
	s16 =	simm.s32 $0x80  }
0x3: {  	s28 =	simm.s32 $0x1;
	s29 =	simm.s32 $0x12400;
	s30 =	simm.s32 $0x2  }
0x4: {  	s31 =	simm.s32 $0x14400;
	s19 =	simm.s32 $0x6;
	s21 =	simm.s32 $0x7  }
0x5: {  	s23 =	simm.s32 $0x8;
	s17 =	simm.s32 $0x0;
	s5 =	smul.u32 $0x320000, s4  }
0x6: {  	s0 =	sand.u32 $0x1, s0;
	s2 =	sshll.u32 s4, $0x1;
	s6 =	smul.u32 $0xC800, s4  }
0x7: {  	[smem:$0x7FF] =	sst s3;
	s4 =	sadd.s32 $0xF42E00, s1;
	s8 =	smul.u32 $0x6400, s0  }
0x8: {  	s2 =	sor.u32 s0, s2;
	s7 =	ssub.s32 $0x2, s0;
	s0 =	smul.u32 $0x190000, s0  }
0x9: {  	_ =	strace $0x80000047;
	s2 =	smul.u32 $0x6400, s2;
	s9 =	sshrl.u32 s7, $0x1  }
0xa: {  	s24 =	ssub.s32 s7, s9;
	s6 =	sadd.s32 s8, s6;
	s0 =	sadd.s32 s0, s5  }
0xb: {  	s5 =	simm.s32 $0xE;
	s2 =	sshrl.u32 s2, $0x3;
	s25 =	sshll.u32 s6, $0x3  }
0xc: {  	s7 =	sshrl.u32 s0, $0x3;
	s26 =	sor.u32 $0xE000, s0;
	s0 =	sor.u32 $0xC000, s0  }
0xd: {  	s2 =	sadd.s32 s2, s1;
	s1 =	smax.u32 s24, $0x1;
	s8 =	sor.u32 $0x1400, s25  }
.Ltmp0:
0xe: {  	s9 =	sor.u32 $0x1000, s25;
	s10 =	sor.u32 $0xC00, s25;
	(pc) =	sbr.rel .LBB2_1-.Ltmp0, $4  }
0xf: {  	s11 =	sor.u32 $0x800, s25;
	s12 =	sor.u32 $0x400, s25;
	s13 =	sshrl.u32 s26, $0x3  }
0x10: {  	s14 =	sshrl.u32 s0, $0x3;
	s24 =	simm.s32 $0xE400;
	s26 =	simm.s32 $0x10400  }
0x11: {  	s0 =	simm.s32 $0x4;
	s2 =	sadd.s32 $0xA00, s2;
	[dreg:$0x4] =	wrdreg s1  }
0x12: {  	s1 =	simm.s32 $0x3;
	[dreg:$0x3] =	wrdreg s2;
	s2 =	simm.s32 $0x5  }
.LBB2_4:
0x13: {  	s6 =	simm.s32 $0x9  }
0x14: {  	_ =	swait.ge [sflag:s6], $0x2000  }
0x15: {  	[sflag:s6] =	ssyncset.done $0x0  }
0x16: {  	s15 =	simm.s32 $0xA;
	[sflag:s6] =	ssyncadd.s32 $0xFFFFE000  }
0x17: {  	_ =	swait.ge [sflag:s15], $0x2000  }
0x18: {  	[sflag:s15] =	ssyncset.done $0x0  }
0x19: {  	s17 =	simm.s32 $0xB;
	[sflag:s15] =	ssyncadd.s32 $0xFFFFE000  }
0x1a: {  	_ =	swait.ge [sflag:s17], $0x2000  }
0x1b: {  	[sflag:s17] =	ssyncset.done $0x0  }
0x1c: {  	s18 =	simm.s32 $0xC;
	[sflag:s17] =	ssyncadd.s32 $0xFFFFE000  }
0x1d: {  	_ =	swait.ge [sflag:s18], $0x2000  }
0x1e: {  	[sflag:s18] =	ssyncset.done $0x0  }
0x1f: {  	s20 =	simm.s32 $0xD;
	[sflag:s18] =	ssyncadd.s32 $0xFFFFE000  }
0x20: {  	_ =	swait.ge [sflag:s20], $0x2000  }
0x21: {  	[sflag:s20] =	ssyncset.done $0x0  }
0x22: {  	[sflag:s20] =	ssyncadd.s32 $0xFFFFE000  }
0x23: {  	_ =	swait.ge [sflag:s5], $0x2000  }
0x24: {  	[sflag:s5] =	ssyncset.done $0x0  }
0x25: {  	s22 =	simm.s32 $0xF;
	[sflag:s5] =	ssyncadd.s32 $0xFFFFE000  }
0x26: {  	_ =	swait.ge [sflag:s22], $0x2000  }
0x27: {  	[sflag:s22] =	ssyncset.done $0x0  }
0x28: {  	s15 =	simm.s32 $0x10;
	[sflag:s22] =	ssyncadd.s32 $0xFFFFE000  }
0x29: {  	_ =	swait.ge [sflag:s15], $0x2000  }
0x2a: {  	s17 =	rddreg [dreg:$0x5]  }
0x2b: {  	s25 =	rddreg [dreg:$0x4];
	s17 =	sadd.s32 $0x1, s17  }
0x2c: {  	p0 =	sne.s32 s17, s25  }
.Ltmp1:
0x2d: {  	_ = 	snop;
	(pc) =	sbr.rel @!p0 .LBB2_5-.Ltmp1, $3  }
0x2e: {  	_ =	sdelay $0x1  }
0x2f: {  	[sflag:s15] =	ssyncset.done $0x0  }
0x30: {  	[sflag:s15] =	ssyncadd.s32 $0xFFFFE000  }
.LBB2_1:
0x31: {  	[dreg:$0x5] =	wrdreg s17  }
0x32: {  	s6 =	rddreg [dreg:$0x3];
	s22 =	simm.s32 $0x11  }
0x33: {  	[tilespmem:s3], [sflag:$0x11] =	stream.linear.gather [hbm4b:s6+s3], $0x6400, $0x38;
	[tilespmem:$0x16400] =	vst v63  }
0x34: {  	_ =	swait.ge [sflag:s22], $0x6400  }
0x35: {  	[sflag:s22] =	ssyncset.done $0x0  }
0x36: {  	s25 =	simm.s32 $0x6400;
	[sflag:s22] =	ssyncadd.s32 $0xFFFF9C00  }
0x37: {  	[tilespmem:s25], [sflag:$0x1] =	stream.indirect.gather [hbm4b:s4+s16], $0x40, s3, s16, $0xb8;
	[tilespmem:$0x16400] =	vst v63  }
0x38: {  	s15 =	simm.s32 $0x8400  }
0x39: {  	[tilespmem:s15], [sflag:$0x2] =	stream.indirect.gather [hbm4b:s4+s16], $0x40, s16, s16, $0xb8;
	[tilespmem:$0x16400] =	vst v63  }
0x3a: {  	s17 =	simm.s32 $0x100;
	s15 =	simm.s32 $0xA400  }
0x3b: {  	[tilespmem:s15], [sflag:$0x3] =	stream.indirect.gather [hbm4b:s4+s16], $0x40, s17, s16, $0xb8;
	[tilespmem:$0x16400] =	vst v63  }
0x3c: {  	s18 =	simm.s32 $0x180;
	s20 =	simm.s32 $0xC400  }
0x3d: {  	[tilespmem:s20], [sflag:$0x4] =	stream.indirect.gather [hbm4b:s4+s16], $0x40, s18, s16, $0xb8;
	[tilespmem:$0x16400] =	vst v63  }
0x3e: {  	s22 =	simm.s32 $0x200  }
0x3f: {  	[tilespmem:s24], [sflag:$0x5] =	stream.indirect.gather [hbm4b:s4+s16], $0x40, s22, s16, $0xb8;
	[tilespmem:$0x16400] =	vst v63  }
0x40: {  	s25 =	simm.s32 $0x280;
	s6 =	rddreg [dreg:$0x1];
	s15 =	simm.s32 $0x0  }
0x41: {  	[tilespmem:s26], [sflag:$0x6] =	stream.indirect.gather [hbm4b:s4+s16], $0x40, s25, s16, $0xb8;
	[tilespmem:$0x16400] =	vst v63  }
.LBB2_2:
0x42: {  	_ =	swait.ge [sflag:s28], $0x2000  }
0x43: {  	s25 =	sadd.s32 s6, s7;
	[sflag:s28] =	ssyncset.done $0x0  }
0x44: {  	s17 =	simm.s32 $0x6400;
	p0 =	seq.s32 s15, $0x0;
	[sflag:s28] =	ssyncadd.s32 $0xFFFFE000  }
0x45: {  	[hbm4b:s25+s3] =	stream.linear.scatter [tilespmem:s17], [sflag:$0x9], $0x2000, $0x38;
	[tilespmem:$0x16400] =	vst v63  }
0x46: {  	s17 =	simm.s32 @!p0 $0xF  }
0x47: {  	_ =	swait.ge @!p0 [sflag:s17], $0x2000  }
0x48: {  	s25 =	sshra.s32 s15, $0x2;
	[sflag:s17] =	ssyncset.done @!p0 $0x0  }
0x49: {  	s18 =	sadd.s32 $0x300, s25;
	[sflag:s17] =	ssyncadd.s32 @!p0 $0xFFFFE000  }
0x4a: {  	[tilespmem:s29], [sflag:$0x7] =	stream.indirect.gather [hbm4b:s4+s16], $0x40, s18, s16, $0xb8;
	[tilespmem:$0x16400] =	vst v63  }
0x4b: {  	_ =	swait.ge [sflag:s30], $0x2000  }
0x4c: {  	s20 =	sadd.s32 s6, s12;
	[sflag:s30] =	ssyncset.done $0x0  }
0x4d: {  	s17 =	simm.s32 @!p0 $0x10;
	s18 =	simm.s32 $0x8400;
	[sflag:s30] =	ssyncadd.s32 $0xFFFFE000  }
0x4e: {  	[hbm4b:s20+s3] =	stream.linear.scatter [tilespmem:s18], [sflag:$0xA], $0x2000, $0x38;
	[tilespmem:$0x16400] =	vst v63  }
0x4f: {  	_ =	swait.ge @!p0 [sflag:s17], $0x2000  }
0x50: {  	[sflag:s17] =	ssyncset.done @!p0 $0x0  }
0x51: {  	s22 =	sadd.s32 $0x380, s25;
	[sflag:s17] =	ssyncadd.s32 @!p0 $0xFFFFE000  }
0x52: {  	[tilespmem:s31], [sflag:$0x8] =	stream.indirect.gather [hbm4b:s4+s16], $0x40, s22, s16, $0xb8;
	[tilespmem:$0x16400] =	vst v63  }
0x53: {  	_ =	swait.ge [sflag:s1], $0x2000  }
0x54: {  	s18 =	sadd.s32 s6, s11;
	p0 =	seq.s32 s15, $0x18000;
	[sflag:s1] =	ssyncset.done $0x0  }
0x55: {  	s20 =	simm.s32 $0xA400;
	s17 =	simm.s32 @!p0 $0x9;
	[sflag:s1] =	ssyncadd.s32 $0xFFFFE000  }
0x56: {  	[hbm4b:s18+s3] =	stream.linear.scatter [tilespmem:s20], [sflag:$0xB], $0x2000, $0x38;
	[tilespmem:$0x16400] =	vst v63  }
0x57: {  	_ =	swait.ge @!p0 [sflag:s17], $0x2000  }
0x58: {  	[sflag:s17] =	ssyncset.done @!p0 $0x0  }
0x59: {  	[sflag:s17] =	ssyncadd.s32 @!p0 $0xFFFFE000;
	s17 =	sshra.s32 @!p0 s15, $0x2  }
0x5a: {  	s22 =	simm.s32 @!p0 $0x6400;
	s20 =	simm.s32 @!p0 $0x80;
	s18 =	sadd.s32 @!p0 $0x400, s17  }
0x5b: {  	[tilespmem:s22], [sflag:$0x1] =	stream.indirect.gather @!p0 [hbm4b:s4+s20], $0x40, s18, s20, $0xb8;
	[tilespmem:$0x16400] =	vst v63  }
0x5c: {  	_ =	swait.ge [sflag:s0], $0x2000  }
0x5d: {  	[sflag:s0] =	ssyncset.done $0x0  }
0x5e: {  	s18 =	sadd.s32 s6, s10;
	s22 =	simm.s32 $0xC400;
	[sflag:s0] =	ssyncadd.s32 $0xFFFFE000  }
0x5f: {  	[hbm4b:s18+s3] =	stream.linear.scatter [tilespmem:s22], [sflag:$0xC], $0x2000, $0x38;
	[tilespmem:$0x16400] =	vst v63  }
0x60: {  	s18 =	simm.s32 @!p0 $0xA  }
0x61: {  	_ =	swait.ge @!p0 [sflag:s18], $0x2000  }
0x62: {  	[sflag:s18] =	ssyncset.done @!p0 $0x0  }
0x63: {  	s22 =	simm.s32 @!p0 $0x8400;
	[sflag:s18] =	ssyncadd.s32 @!p0 $0xFFFFE000;
	s18 =	sadd.s32 @!p0 $0x480, s17  }
0x64: {  	[tilespmem:s22], [sflag:$0x2] =	stream.indirect.gather @!p0 [hbm4b:s4+s20], $0x40, s18, s20, $0xb8;
	[tilespmem:$0x16400] =	vst v63  }
0x65: {  	_ =	swait.ge [sflag:s2], $0x2000  }
0x66: {  	[sflag:s2] =	ssyncset.done $0x0  }
0x67: {  	s22 =	sadd.s32 s6, s9;
	s18 =	simm.s32 @!p0 $0xB;
	[sflag:s2] =	ssyncadd.s32 $0xFFFFE000  }
0x68: {  	[hbm4b:s22+s3] =	stream.linear.scatter [tilespmem:s24], [sflag:$0xD], $0x2000, $0x38;
	[tilespmem:$0x16400] =	vst v63  }
0x69: {  	_ =	swait.ge @!p0 [sflag:s18], $0x2000  }
0x6a: {  	[sflag:s18] =	ssyncset.done @!p0 $0x0  }
0x6b: {  	s22 =	simm.s32 @!p0 $0xA400;
	[sflag:s18] =	ssyncadd.s32 @!p0 $0xFFFFE000;
	s18 =	sadd.s32 @!p0 $0x500, s17  }
0x6c: {  	[tilespmem:s22], [sflag:$0x3] =	stream.indirect.gather @!p0 [hbm4b:s4+s20], $0x40, s18, s20, $0xb8;
	[tilespmem:$0x16400] =	vst v63  }
0x6d: {  	_ =	swait.ge [sflag:s19], $0x2000  }
0x6e: {  	[sflag:s19] =	ssyncset.done $0x0  }
0x6f: {  	s22 =	sadd.s32 s6, s8;
	s18 =	simm.s32 @!p0 $0xC;
	[sflag:s19] =	ssyncadd.s32 $0xFFFFE000  }
0x70: {  	[hbm4b:s22+s3] =	stream.linear.scatter [tilespmem:s26], [sflag:$0xE], $0x2000, $0x38;
	[tilespmem:$0x16400] =	vst v63  }
0x71: {  	_ =	swait.ge @!p0 [sflag:s18], $0x2000  }
0x72: {  	[sflag:s18] =	ssyncset.done @!p0 $0x0  }
0x73: {  	s22 =	simm.s32 @!p0 $0xC400;
	[sflag:s18] =	ssyncadd.s32 @!p0 $0xFFFFE000;
	s18 =	sadd.s32 @!p0 $0x580, s17  }
0x74: {  	[tilespmem:s22], [sflag:$0x4] =	stream.indirect.gather @!p0 [hbm4b:s4+s20], $0x40, s18, s20, $0xb8;
	[tilespmem:$0x16400] =	vst v63  }
0x75: {  	_ =	swait.ge [sflag:s21], $0x2000  }
0x76: {  	[sflag:s21] =	ssyncset.done $0x0  }
0x77: {  	s22 =	sadd.s32 s6, s14;
	s18 =	simm.s32 @!p0 $0xD;
	[sflag:s21] =	ssyncadd.s32 $0xFFFFE000  }
0x78: {  	[hbm4b:s22+s3] =	stream.linear.scatter [tilespmem:s29], [sflag:$0xF], $0x2000, $0x38;
	[tilespmem:$0x16400] =	vst v63  }
0x79: {  	_ =	swait.ge @!p0 [sflag:s18], $0x2000  }
0x7a: {  	[sflag:s18] =	ssyncset.done @!p0 $0x0  }
0x7b: {  	s17 =	sadd.s32 @!p0 $0x600, s17;
	[sflag:s18] =	ssyncadd.s32 @!p0 $0xFFFFE000;
	s18 =	simm.s32 @!p0 $0xE400  }
0x7c: {  	[tilespmem:s18], [sflag:$0x5] =	stream.indirect.gather @!p0 [hbm4b:s4+s20], $0x40, s17, s20, $0xb8;
	[tilespmem:$0x16400] =	vst v63  }
.Ltmp2:
0x7d: {  	_ = 	snop;
	(pc) =	sbr.rel @p0 .LBB2_4-.Ltmp2, $4  }
0x7e: {  	_ =	swait.ge [sflag:s23], $0x2000  }
0x7f: {  	[sflag:s23] =	ssyncset.done $0x0  }
0x80: {  	s22 =	sadd.s32 s6, s13;
	[sflag:s23] =	ssyncadd.s32 $0xFFFFE000  }
0x81: {  	[hbm4b:s22+s3] =	stream.linear.scatter [tilespmem:s31], [sflag:$0x10], $0x2000, $0x38;
	[tilespmem:$0x16400] =	vst v63  }
.Ltmp3:
0x82: {  	(pc) =	sbr.rel .LBB2_2-.Ltmp3, $4  }
0x83: {  	_ =	swait.ge [sflag:s5], $0x2000  }
0x84: {  	s17 =	sadd.s32 $0x680, s25;
	[sflag:s5] =	ssyncset.done $0x0  }
0x85: {  	s15 =	sadd.s32 $0x1000, s15;
	s6 =	sadd.s32 $0x2000, s6;
	[sflag:s5] =	ssyncadd.s32 $0xFFFFE000  }
0x86: {  	[tilespmem:s26], [sflag:$0x6] =	stream.indirect.gather [hbm4b:s4+s16], $0x40, s17, s16, $0xb8;
	[tilespmem:$0x16400] =	vst v63  }
.LBB2_5:
0x87: {  	_ =	sfence.sel $0x180000  }
0x88: {  	[bflag:$0x0] =	sbarrier.arrive $0xFFFF  }
0x89: {  	_ =	strace $0x90000047  }
0x8a: {  	s0 =	stileid.u32;
	[bflag:$0x2] =	sbarrier.arrive $0xFFFF  }
0x8b: {  	p0 =	sne.s32 s0, $0x0;
	s0 =	rddreg [dreg:$0x2]  }
0x8c: {  	s0 =	sadd.s32 @!p0 $0x100000, s0  }
0x8d: {  	[sflag:s0] =	ssyncadd.tile.s32 @!p0 $0x1;
	_ =	shalt  }
.Lfunc_end2:
_tile_overlayer_lowered:
.L_overlay_start_2:
0x8e: {  	(tag) =	ssettag $0x2  }
0x8f: {  	s0 =	rddreg [dreg:$0x0];
	s2 =	stileid.u32  }
0x90: {  	s1 =	rddreg [dreg:$0x1];
	p0 =	sne.s32 s2, $0x0  }
0x91: {  	s3 =	rddreg [dreg:$0x2];
	[bflag:$0x3] =	sbarrier.arrive $0xFFFF;
	s2 =	simm.s32 @!p0 $0x1C11  }
0x92: {  	[timem:s3], [sflag:s2] =	dma.local @!p0 [hbm:s0], s1  }
0x93: {  	s0 =	simm.s32 @!p0 $0x11  }
0x94: {  	_ =	swait.ge @!p0 [sflag:s0], s1  }
0x95: {  	s1 =	ssub.s32 @!p0 $0x0, s1;
	[sflag:s0] =	ssyncset.done @!p0 $0x0  }
0x96: {  	[sflag:s0] =	ssyncadd.s32 @!p0 s1  }
0x97: {  	[bflag:$0x3] =	sbarrier.arrive $0xFFFF  }
0x98: {  	_ =	shalt  }

// kernel: sparse-core-data-format-call.cloned.1.call-start
scs
called_computation_lowered:
.L_overlay_start_0:
0x0: {  	s2 =	sld [smem:$0x3FD9]  }
0x1: {  	s3 =	sld [smem:$0x3FFE];
	_ =	sdelay $0x1  }
0x2: {  	s1 =	srdreg.scid  }
0x3: {  	s0 =	sand.u32 $0x1, s1  }
0x4: {  	s18 =	sshll.u32 s0, $0xA;
	s2 =	sadd.s32 s3, s2  }
0x5: {  	s2 =	sadd.s32 s2, s18  }
0x6: {  	[smem:$0x3FC6] =	sst s2  }
0x7: {  	_ = 	snop  }
0x8: {  	s2 =	sld [smem:$0x3FD0];
	(tm) =	ssettm $0x1  }
0x9: {  	s19 =	sld [smem:$0x3FFB];
	_ =	sdelay $0x3  }
0xa: {  	_ =	strace s19  }
0xb: {  	s3 =	sld [smem:$0x3FFC];
	_ =	sdelay $0x3  }
0xc: {  	_ =	strace s3  }
0xd: {  	s3 =	sld [smem:$0x3FFD];
	_ =	sdelay $0x3  }
0xe: {  	_ =	strace s3  }
0xf: {  	_ =	strace $0x8FFFFFFF  }
0x10: {  	s20 =	sld [smem:$0x3FDB];
	_ =	sdelay $0x1  }
0x11: {  	s4 =	simm.s32 $_scs_section_size  }
0x12: {  	s5 =	simm.s32 $_size__tile_overlayer_lowered;
	s6 =	simm.s32 $_tile_overlayer_lowered  }
0x13: {  	s23 =	simm.s32 $0x1BFF;
	s22 =	sshll.u32 s6, $0x1;
	s3 =	sadd.s32 s4, s20  }
0x14: {  	s7 =	simm.s32 $0x0;
	s21 =	sshll.u32 s5, $0x1;
	s5 =	sadd.s32 s22, s3  }
0x15: {  	[timem:s7], [sflag:s23] =	dma.local [hbm:s5], s21  }
0x16: {  	_ =	swait.ge [sflag:s23], s21  }
0x17: {  	s4 =	ssub.s32 $0x0, s21;
	[sflag:s23] =	ssyncset.done $0x0  }
0x18: {  	[sflag:s23] =	ssyncadd.s32 s4;
	_ =	sdelay $0x1  }
0x19: {  	s24 =	simm.s32 $0x1B8B  }
0x1a: {  	_ =	swait.ge [sflag:s24], $0x1  }
0x1b: {  	[sflag:s24] =	ssyncset.done $0x0  }
0x1c: {  	s26 =	simm.s32 $0x1B8E;
	s25 =	sld [smem:$0x3FFE];
	[sflag:s24] =	ssyncadd.s32 $0xFFFFFFFF  }
0x1d: {  	s27 =	simm.s32 $execute0_lowered;
	[smem:$0x3FD2] =	sst s26  }
0x1e: {  	s5 =	sshll.u32 s27, $0x1;
	_ =	strace $0x80000049;
	[dreg:$0x1] =	wrdreg $0xFFFFFFFF  }
0x1f: {  	s28 =	simm.s32 $_size_execute0_lowered;
	s3 =	sadd.s32 s3, s5;
	[dreg:$0x0] =	wrdreg $0x0  }
0x20: {  	s5 =	sshll.u32 s28, $0x1;
	[dreg:$0x2] =	wrdreg s3  }
0x21: {  	[dreg:$0x3] =	wrdreg s5  }
0x22: {  	[dreg:$0x4] =	wrdreg $0xC0  }
0x23: {  	_ =	task [dreg:s7], $0x5FFFF  }
0x24: {  	[dreg:$0x1] =	wrdreg $0xFFFFFFFF  }
0x25: {  	[dreg:$0x0] =	wrdreg $0x60  }
0x26: {  	[dreg:$0x2] =	wrdreg s25  }
0x27: {  	[dreg:$0x3] =	wrdreg s2  }
0x28: {  	[dreg:$0x4] =	wrdreg $0x9  }
0x29: {  	_ =	task.clear_ibuf [dreg:s7], $0x5FFFF;
	_ =	strace $0x90000049  }
0x2a: {  	s29 =	simm.s32 $0x9;
	_ =	strace $0x8000004B  }
0x2b: {  	_ =	swait.ge [sflag:s29], $0x1  }
0x2c: {  	[sflag:s29] =	ssyncadd.s32 $0xFFFFFFFF  }
0x2d: {  	_ =	strace $0x9000004B  }
0x2e: {  	_ =	sfence  }
0x2f: {  	s30 =	sld [smem:$0x0];
	_ =	sdelay $0x2  }
0x30: {  	s31 =	sshll.u32 s1, $0xD;
	s1 =	sshrl.u32 s1, $0x2  }
0x31: {  	s3 =	sand.u32 $0x4000, s31;
	s1 =	sadd.s32 s1, s30  }
0x32: {  	s0 =	sor.u32 s3, s0;
	s1 =	sshll.u32 s1, $0x11  }
0x33: {  	s0 =	sor.u32 s1, s0  }
0x34: {  	s0 =	sadd.s32 $0x8F2B, s0  }
0x35: {  	[sflag:s0] =	ssyncadd.remote.s32 $0x1  }
0x36: {  	_ =	sfence.sel $0xFFFF  }
0x37: {  	[dreg:$0x0] =	wrdreg $0xFFFFFFFF;
	(pc) =	sbr.abs _section_cstart, $3  }
0x38: {  	[dreg:$0x1] =	wrdreg $0xFFFFFFFF  }
0x39: {  	_ =	task.clear_ibuf [dreg:s7], $0x2FFFF;
	_ =	strace $0x9FFFFFFF  }
0x3a: {  	(tm) =	ssettm $0x7FFFFFFF  }
0x3b: {  	_ =	shalt  }
tec
execute0_lowered:
.L_overlay_start_1:
0x0: {  	(tag) =	ssettag $0x1  }
0x1: {  	s0 =	srdreg.scid  }
0x2: {  	s1 =	sshll.u32 s0, $0x4  }
0x3: {  	s0 =	stileid.u32;
	s1 =	sand.u32 $0x10, s1  }
0x4: {  	s1 =	sor.u32 s0, s1  }
0x5: {  	s6 =	rddreg [dreg:$0x0];
	s4 =	simm.s32 $0x1;
	s2 =	sshll.u32 s1, $0x7  }
0x6: {  	s7 =	simm.s32 $0x2;
	s12 =	simm.s32 $0x0;
	s1 =	ssub.s32 $0x4000, s2  }
0x7: {  	s8 =	simm.s32 $0x20000;
	s13 =	simm.s32 $0x0;
	s3 =	sand.u32 $0xF80, s1  }
0x8: {  	s9 =	simm.s32 $0x0;
	s5 =	sshrl.u32 s1, $0xC;
	p0 =	sne.s32 s3, $0x0  }
.Ltmp0:
0x9: {  	s1 =	rddreg [dreg:$0x2];
	s4 =	simm.s32 @!p0 $0x0;
	(pc) =	sbr.rel .LBB1_1-.Ltmp0, $4  }
0xa: {  	s11 =	simm.s32 $0x0;
	s3 =	rddreg [dreg:$0x1];
	s5 =	sadd.s32 s4, s5  }
0xb: {  	_ =	strace $0x8000004A;
	s4 =	simm.s32 $0x1;
	s5 =	smul.u32 $0x32, s5  }
0xc: {  	s6 =	sadd.s32 $0xA00, s6;
	s10 =	smov.u32 s2;
	[sflag:s4] =	ssyncpa.u1 $0x0  }
0xd: {  	p0 =	por $0x0, $0x0;
	[sflag:s7] =	ssyncpa.u1 $0x0;
	s7 =	sor.u32 $0x1, s5  }
.LBB1_4:
0xe: {  	s16 =	sshll.u32 s13, $0x3;
	s17 =	sand.u32 $0x78, s13  }
0xf: {  	s30 =	sand.u32 $0x1F800, s13;
	s12 =	sshll.u32 s12, $0x11;
	s16 =	sand.u32 $0x3C00, s16  }
0x10: {  	[tilespmem:s15+$0x810 ss:$0x81] =	vst.msk $0xffff, v2;
	s31 =	sand.u32 $0x7, s13;
	s16 =	sor.u32 s17, s16;
	s17 =	sadd.s32 s3, s30  }
0x11: {  	[tilespmem:s15+$0x1020 ss:$0x81] =	vst.msk $0xffff, v0;
	s13 =	sshll.u32 s31, $0x12;
	s12 =	sadd.s32 s12, s17;
	s16 =	sshrl.u32 s16, $0x3  }
0x12: {  	[tilespmem:s15+$0x0 ss:$0x81] =	vst.msk $0xffff, v1;
	s13 =	sor.u32 $0x400, s13;
	s12 =	sadd.s32 s16, s12  }
0x13: {  	[hbm4b:s12+s13] =	stream.strided.scatter [tilespmem:s14], [sflag:$0x2], $0x2000, s8, s13, $0x20;
	[tilespmem:$0x8080] =	vst v63  }
.LBB1_5:
0x14: {  	s14 =	sadd.s32 $0x1, s9  }
0x15: {  	s12 =	sadd.s32 $0x1000, s10;
	s16 =	smov.u32 s10;
	p2 =	sgt.s32 s14, $0x31  }
0x16: {  	s16 =	smov.u32 @p2 s12  }
0x17: {  	s14 =	simm.s32 @p2 $0x0;
	p2 =	sgt.s32 s16, $0x3FFF  }
0x18: {  	s16 =	smov.u32 @p2 s2;
	p2 =	sne.s32 s11, s7  }
.Ltmp1:
0x19: {  	p1 =	slt.u32 s11, $0x2;
	(pc) =	sbr.rel @!p2 .LBB1_6-.Ltmp1, $4  }
0x1a: {  	s15 =	simm.s32 @!p1 $0x2  }
0x1b: {  	s13 =	smov.u32 s10;
	p0 =	por !p0, !p0;
	_ =	swait.ge @!p1 [sflag:s15], $0x2000  }
0x1c: {  	s12 =	smov.u32 s9;
	[sflag:s15] =	ssyncset.done @!p1 $0x0;
	s9 =	smov.u32 s14  }
0x1d: {  	s11 =	sadd.s32 $0x1, s11;
	[sflag:s15] =	ssyncadd.s32 @!p1 $0xFFFFE000;
	s10 =	smov.u32 s16  }
.LBB1_1:
0x1e: {  	p1 =	sge.u32 s11, s5  }
0x1f: {  	s14 =	sand.u32 @!p1 $0x1FFFFFF, s9  }
0x20: {  	s15 =	smulhi.u32 @!p1 $0x4924925, s14;
	_ =	sdelay $0x1  }
0x21: {  	s15 =	smul.u32 @!p1 $0x38, s15  }
0x22: {  	s16 =	sxor.u32 @!p1 $0xFFFFFFFF, s11;
	s17 =	smul.u32 @!p1 $0x380, s10  }
0x23: {  	s31 =	sadd.s32 $0xFFFFFFFF, s11;
	s16 =	sshll.u32 @!p1 s16, $0xD;
	s14 =	ssub.s32 @!p1 s14, s15  }
0x24: {  	s15 =	sand.u32 @!p1 $0x2000, s16;
	s16 =	sadd.s32 @!p1 s6, s17;
	s14 =	sshll.u32 @!p1 s14, $0x4  }
0x25: {  	s17 =	simm.s32 @!p1 $0x1C00;
	s14 =	sadd.s32 @!p1 s14, s16;
	s16 =	simm.s32 @!p1 $0x40  }
0x26: {  	[tilespmem:s15], [sflag:$0x1] =	stream.strided.gather @!p1 [hbm4b:s14+s16], $0x2000, s17, s16, $0x38;
	[tilespmem:$0x8080] =	vst v63  }
0x27: {  	p1 =	sge.u32 s31, s5  }
.Ltmp2:
0x28: {  	_ = 	snop;
	(pc) =	sbr.rel @p1 .LBB1_5-.Ltmp2, $1  }
0x29: {  	_ =	sdelay $0x3  }
0x2a: {  	s14 =	simm.s32 $0x1  }
0x2b: {  	_ =	swait.ge [sflag:s4], $0x2000;
	s14 =	simm.s32 @!p0 $0x0  }
0x2c: {  	[sflag:s4] =	ssyncset.done $0x0;
	s15 =	sshll.u32 s14, $0xD  }
0x2d: {  	[sflag:s4] =	ssyncadd.s32 $0xFFFFE000;
	s18 =	sor.u32 $0x20, s15  }
0x2e: {  	s14 =	smul.u32 $0x8100, s14;
	v3 =	vld [tilespmem:s18+$0x10]  }
0x2f: {  	s30 =	sand.u32 $0x1, s11;
	v2 =	vld [tilespmem:s18+$0xFFFFFFF0]  }
0x30: {  	s15 =	smul.u32 $0x8100, s30;
	s14 =	sshrl.u32 s14, $0x2;
	v0 =	vld [tilespmem:s18+$0x0]  }
0x31: {  	v1 =	vld [tilespmem:s18+$0xFFFFFFE0];
	s16 =	sor.u32 $0x4000, s14  }
0x32: {  	s31 =	sshrl.u32 s15, $0x2;
	s15 =	sadd.s32 $0x0, s16  }
0x33: {  	s17 =	simm.s32 $0x4;
	s18 =	sadd.s32 $0x40, s18;
	s14 =	sor.u32 $0x4000, s31;
	[tilespmem:s15+$0x1830 ss:$0x81] =	vst.msk $0xffff, v3  }
.LBB1_3:
0x34: {  	v3 =	vld [tilespmem:s18+$0x10];
	p1 =	sne.s32 s17, $0x1FC;
	[tilespmem:s15+$0x810 ss:$0x81] =	vst.msk $0xffff, v2;
	s19 =	smov.u32 s17;
	s17 =	sadd.s32 $0x4, s17  }
.Ltmp3:
0x35: {  	v2 =	vld [tilespmem:s18+$0xFFFFFFF0];
	[tilespmem:s15+$0x1020 ss:$0x81] =	vst.msk $0xffff, v0;
	(pc) =	sbr.rel @p1 .LBB1_3-.Ltmp3, $4  }
0x36: {  	v0 =	vld [tilespmem:s18+$0x0];
	[tilespmem:s15+$0x0 ss:$0x81] =	vst.msk $0xffff, v1  }
0x37: {  	s15 =	sshra.s32 s19, $0x2;
	v1 =	vld [tilespmem:s18+$0xFFFFFFE0]  }
0x38: {  	s15 =	sadd.s32 s15, s16  }
0x39: {  	s18 =	sadd.s32 $0x40, s18;
	[tilespmem:s15+$0x1830 ss:$0x81] =	vst.msk $0xffff, v3  }
.Ltmp4:
0x3a: {  	_ = 	snop;
	(pc) =	sbr.rel .LBB1_4-.Ltmp4, $1  }
0x3b: {  	_ =	sdelay $0x3  }
.LBB1_6:
0x3c: {  	_ =	sfence.sel $0x180000  }
0x3d: {  	s2 =	simm.s32 $0x1;
	[bflag:$0x0] =	sbarrier.arrive $0xFFFF  }
0x3e: {  	s31 =	simm.s32 $0x2;
	[sflag:s2] =	ssyncpa.u1 $0x1  }
0x3f: {  	[sflag:s31] =	ssyncpa.u1 $0x1  }
0x40: {  	p0 =	sne.s32 s0, $0x0;
	_ =	strace $0x9000004A  }
0x41: {  	s0 =	sadd.s32 @!p0 $0x100000, s1;
	[bflag:$0x2] =	sbarrier.arrive $0xFFFF  }
0x42: {  	[sflag:s0] =	ssyncadd.tile.s32 @!p0 $0x1;
	_ =	shalt  }
.Lfunc_end1:
_tile_overlayer_lowered:
.L_overlay_start_2:
0x43: {  	(tag) =	ssettag $0x2  }
0x44: {  	s0 =	rddreg [dreg:$0x0];
	s2 =	stileid.u32  }
0x45: {  	s1 =	rddreg [dreg:$0x1];
	p0 =	sne.s32 s2, $0x0  }
0x46: {  	s3 =	rddreg [dreg:$0x2];
	[bflag:$0x3] =	sbarrier.arrive $0xFFFF;
	s2 =	simm.s32 @!p0 $0x1C01  }
0x47: {  	[timem:s3], [sflag:s2] =	dma.local @!p0 [hbm:s0], s1  }
0x48: {  	s0 =	simm.s32 @!p0 $0x1  }
0x49: {  	_ =	swait.ge @!p0 [sflag:s0], s1  }
0x4a: {  	s1 =	ssub.s32 @!p0 $0x0, s1;
	[sflag:s0] =	ssyncset.done @!p0 $0x0  }
0x4b: {  	[sflag:s0] =	ssyncadd.s32 @!p0 s1  }
0x4c: {  	[bflag:$0x3] =	sbarrier.arrive $0xFFFF  }
0x4d: {  	_ =	shalt  }

</sc_bundles>
